<compile_context>
chip_gen: v7x
topology: tpu7x:2x2x1
jax: 0.10.2.dev20260603
libtpu: 0.0.44.dev20260713+nightly
codegen_flags: <defaults>
</compile_context>

<pallas_src>
import jax
import jax.numpy as jnp
from jax import lax
from jax.experimental import pallas as pl
from jax.experimental.pallas import tpu as pltpu
from jax.experimental.pallas import tpu_sc as plsc

N = 10000
E = 320000
HID = 128
LAT = 64
VOCAB = 800

NC, NS = 2, 16
NW = NC * NS
EPW = E // NW
C = 80
NCHUNK = EPW // C
RPT = 624
RREM = N - NS * RPT

f32 = jnp.float32
_MESH = plsc.VectorSubcoreMesh(core_axis_name="c", subcore_axis_name="s",
                               num_cores=NC, num_subcores=NS)
_PREC = lax.Precision.HIGHEST


def _dot(a, b):
    return jnp.dot(a, b, precision=_PREC, preferred_element_type=f32)


def _sigmoid(x):
    return 1.0 / (1.0 + jnp.exp(-x))



def _acc_init(zeros_hbm, acc, s):
    r0 = pl.multiple_of(s * RPT, 8)
    pltpu.sync_copy(zeros_hbm.at[pl.ds(r0, RPT)], acc.at[pl.ds(r0, RPT)])

    @pl.when(s == 0)
    def _rem():
        pltpu.sync_copy(zeros_hbm.at[pl.ds(NS * RPT, RREM)],
                        acc.at[pl.ds(NS * RPT, RREM)])


def _acc_write(acc, out_hbm, c, s):
    r0 = pl.multiple_of(s * RPT, 8)
    pltpu.sync_copy(acc.at[pl.ds(r0, RPT)], out_hbm.at[c, pl.ds(r0, RPT)])

    @pl.when(s == 0)
    def _rem():
        pltpu.sync_copy(acc.at[pl.ds(NS * RPT, RREM)],
                        out_hbm.at[c, pl.ds(NS * RPT, RREM)])


def _seg_sum_body(vals_hbm, idx_hbm, zeros_hbm, out_hbm, idx_v, vals_v, acc, sem):
    c = lax.axis_index("c")
    s = lax.axis_index("s")
    w = c * NS + s
    _acc_init(zeros_hbm, acc, s)
    plsc.subcore_barrier()

    def body(i, carry):
        off = pl.multiple_of(w * EPW + i * C, 8)
        pltpu.sync_copy(idx_hbm.at[pl.ds(off, C)], idx_v)
        pltpu.async_copy(vals_hbm.at[pl.ds(off, C)], vals_v, sem).wait()
        pltpu.sync_copy(vals_v, acc.at[idx_v], add=True)
        return carry

    lax.fori_loop(0, NCHUNK, body, 0)
    plsc.subcore_barrier()
    _acc_write(acc, out_hbm, c, s)


def _seg_sum(vals, idx, zeros):
    return pl.kernel(
        _seg_sum_body,
        out_type=jax.ShapeDtypeStruct((NC, N, HID), f32),
        mesh=_MESH,
        scratch_types=[
            pltpu.VMEM((C,), jnp.int32),
            pltpu.VMEM((C, HID), f32),
            pltpu.VMEM_SHARED((N, HID), f32),
            pltpu.SemaphoreType.DMA,
        ],
    )(vals, idx, zeros)


def _gather_body(table_hbm, idx_hbm, out_hbm, idx_v, rows_v, sem):
    c = lax.axis_index("c")
    s = lax.axis_index("s")
    w = c * NS + s

    def body(i, carry):
        off = pl.multiple_of(w * EPW + i * C, 8)
        pltpu.sync_copy(idx_hbm.at[pl.ds(off, C)], idx_v)
        pltpu.async_copy(table_hbm.at[idx_v], rows_v, sem).wait()
        pltpu.sync_copy(rows_v, out_hbm.at[pl.ds(off, C)])
        return carry

    lax.fori_loop(0, NCHUNK, body, 0)


def _gather(table, idx):
    return pl.kernel(
        _gather_body,
        out_type=jax.ShapeDtypeStruct((E, HID), f32),
        mesh=_MESH,
        scratch_types=[
            pltpu.VMEM((C,), jnp.int32),
            pltpu.VMEM((C, HID), f32),
            pltpu.SemaphoreType.DMA,
        ],
    )(table, idx)


def _gs_body(table_hbm, src_hbm, dst_hbm, zeros_hbm, out_hbm,
             sidx_v, didx_v, rows_v, acc, sem):
    c = lax.axis_index("c")
    s = lax.axis_index("s")
    w = c * NS + s
    _acc_init(zeros_hbm, acc, s)
    plsc.subcore_barrier()

    def body(i, carry):
        off = pl.multiple_of(w * EPW + i * C, 8)
        pltpu.sync_copy(src_hbm.at[pl.ds(off, C)], sidx_v)
        pltpu.sync_copy(dst_hbm.at[pl.ds(off, C)], didx_v)
        pltpu.async_copy(table_hbm.at[sidx_v], rows_v, sem).wait()
        pltpu.sync_copy(rows_v, acc.at[didx_v], add=True)
        return carry

    lax.fori_loop(0, NCHUNK, body, 0)
    plsc.subcore_barrier()
    _acc_write(acc, out_hbm, c, s)


def _gather_seg_sum(table, src, dst, zeros):
    return pl.kernel(
        _gs_body,
        out_type=jax.ShapeDtypeStruct((NC, N, HID), f32),
        mesh=_MESH,
        scratch_types=[
            pltpu.VMEM((C,), jnp.int32),
            pltpu.VMEM((C,), jnp.int32),
            pltpu.VMEM((C, HID), f32),
            pltpu.VMEM_SHARED((N, HID), f32),
            pltpu.SemaphoreType.DMA,
        ],
    )(table, src, dst, zeros)



BN = 1000
GN = N // BN
BE = 2000
GE = E // BE


def _xa_body(wid_ref, emb_ref, wr_ref, urb_ref, x_ref, a_ref):
    wid = wid_ref[0, 0, :]
    cols = lax.broadcasted_iota(jnp.int32, (BN, VOCAB), 1)
    onehot = (cols == wid[:, None]).astype(f32)
    x = _dot(onehot, emb_ref[...])
    x_ref[...] = x
    a_ref[...] = _dot(x, wr_ref[...]) + urb_ref[...]


def _tc_xa(wid3, emb, Wr_w, urb):
    return pl.pallas_call(
        _xa_body,
        grid=(GN,),
        in_specs=[
            pl.BlockSpec((1, 1, BN), lambda i: (i, 0, 0)),
            pl.BlockSpec((VOCAB, HID), lambda i: (0, 0)),
            pl.BlockSpec((HID, HID), lambda i: (0, 0)),
            pl.BlockSpec((1, HID), lambda i: (0, 0)),
        ],
        out_specs=[
            pl.BlockSpec((BN, HID), lambda i: (i, 0)),
            pl.BlockSpec((BN, HID), lambda i: (i, 0)),
        ],
        out_shape=[
            jax.ShapeDtypeStruct((N, HID), f32),
            jax.ShapeDtypeStruct((N, HID), f32),
        ],
    )(wid3, emb, Wr_w, urb)


def _rm_body(m_ref, ad_ref, ur_ref, rm_ref):
    mm = m_ref[...]
    u = _dot(mm, ur_ref[...])
    rm_ref[...] = _sigmoid(ad_ref[...] + u) * mm


def _tc_rm(m, a_dst, Ur_w):
    return pl.pallas_call(
        _rm_body,
        grid=(GE,),
        in_specs=[
            pl.BlockSpec((BE, HID), lambda i: (i, 0)),
            pl.BlockSpec((BE, HID), lambda i: (i, 0)),
            pl.BlockSpec((HID, HID), lambda i: (0, 0)),
        ],
        out_specs=pl.BlockSpec((BE, HID), lambda i: (i, 0)),
        out_shape=jax.ShapeDtypeStruct((E, HID), f32),
    )(m, a_dst, Ur_w)


def _mn_body(x_ref, nmp_ref, nrmp_ref, wz_ref, bz_ref, wh_ref, bh_ref, mn_ref):
    nm = nmp_ref[0] + nmp_ref[1]
    nrm = nrmp_ref[0] + nrmp_ref[1]
    x = x_ref[...]
    wz = wz_ref[...]
    wh = wh_ref[...]
    z = _sigmoid(_dot(x, wz[:HID]) + _dot(nm, wz[HID:]) + bz_ref[...])
    ht = jnp.tanh(_dot(x, wh[:HID]) + _dot(nrm, wh[HID:]) + bh_ref[...])
    mn_ref[...] = (1.0 - z) * nm + z * ht


def _tc_mn(x, nm_p, nrm_p, Wz_w, bz, Wh_w, bh):
    return pl.pallas_call(
        _mn_body,
        grid=(GN,),
        in_specs=[
            pl.BlockSpec((BN, HID), lambda i: (i, 0)),
            pl.BlockSpec((NC, BN, HID), lambda i: (0, i, 0)),
            pl.BlockSpec((NC, BN, HID), lambda i: (0, i, 0)),
            pl.BlockSpec((2 * HID, HID), lambda i: (0, 0)),
            pl.BlockSpec((1, HID), lambda i: (0, 0)),
            pl.BlockSpec((2 * HID, HID), lambda i: (0, 0)),
            pl.BlockSpec((1, HID), lambda i: (0, 0)),
        ],
        out_specs=pl.BlockSpec((BN, HID), lambda i: (i, 0)),
        out_shape=jax.ShapeDtypeStruct((N, HID), f32),
    )(x, nm_p, nrm_p, Wz_w, bz, Wh_w, bh)


def _loss_body(x_ref, hp_ref, tv_ref, wid_ref, pt_ref, ww_ref, wb_ref,
               wo_ref, wob_ref, uw_ref, ub_ref, us_ref, usb_ref, out_ref):
    i = pl.program_id(0)
    h = hp_ref[0] + hp_ref[1]
    x = x_ref[...]
    tv = tv_ref[...]
    ww = ww_ref[...]
    uw = uw_ref[...]
    t1 = jnp.maximum(_dot(h, ww[:HID]) + _dot(tv, ww[HID:]) + wb_ref[...], 0.0)
    q = _dot(t1, wo_ref[...]) + wob_ref[...]
    rmax = jnp.max(q, axis=1, keepdims=True)
    lse = rmax[:, 0] + jnp.log(jnp.sum(jnp.exp(q - rmax), axis=1))
    wid = wid_ref[0, 0, :]
    cols = lax.broadcasted_iota(jnp.int32, (BN, VOCAB), 1)
    picked = jnp.sum(jnp.where(cols == wid[:, None], q, 0.0), axis=1)
    q_loss = jnp.sum(lse - picked)
    first = jnp.min(jnp.where(q == rmax, cols, VOCAB), axis=1)
    q_acc = jnp.sum((first == wid).astype(f32))
    t2 = jnp.maximum(_dot(x, uw[:HID]) + _dot(h, uw[HID:2 * HID])
                     + _dot(tv, uw[2 * HID:]) + ub_ref[...], 0.0)
    p = jnp.sum(t2 * us_ref[...], axis=1) + usb_ref[0, 0]
    pti = pt_ref[0, 0, :]
    pt = pti.astype(f32)
    p_loss = jnp.sum(jnp.maximum(p, 0.0) - p * pt
                     + jnp.log(1.0 + jnp.exp(-jnp.abs(p))))
    p_acc = jnp.sum(((p > 0).astype(jnp.int32) == pti).astype(f32))
    lane = lax.broadcasted_iota(jnp.int32, (1, HID), 1)
    part = (jnp.where(lane == 0, q_loss / 256.0, 0.0)
            + jnp.where(lane == 1, p_loss / 256.0, 0.0)
            + jnp.where(lane == 2, q_acc / N, 0.0)
            + jnp.where(lane == 3, p_acc / N, 0.0))

    @pl.when(i == 0)
    def _init():
        out_ref[...] = part

    @pl.when(i > 0)
    def _accum():
        out_ref[...] += part


def _tc_loss(x, h_p, tree_vec, wid3, pt3, W_w, wb, Wo_w, wob, U_w, ub, us, usb):
    return pl.pallas_call(
        _loss_body,
        grid=(GN,),
        in_specs=[
            pl.BlockSpec((BN, HID), lambda i: (i, 0)),
            pl.BlockSpec((NC, BN, HID), lambda i: (0, i, 0)),
            pl.BlockSpec((BN, LAT), lambda i: (i, 0)),
            pl.BlockSpec((1, 1, BN), lambda i: (i, 0, 0)),
            pl.BlockSpec((1, 1, BN), lambda i: (i, 0, 0)),
            pl.BlockSpec((HID + LAT, HID), lambda i: (0, 0)),
            pl.BlockSpec((1, HID), lambda i: (0, 0)),
            pl.BlockSpec((HID, VOCAB), lambda i: (0, 0)),
            pl.BlockSpec((1, VOCAB), lambda i: (0, 0)),
            pl.BlockSpec((2 * HID + LAT, HID), lambda i: (0, 0)),
            pl.BlockSpec((1, HID), lambda i: (0, 0)),
            pl.BlockSpec((1, HID), lambda i: (0, 0)),
            pl.BlockSpec((1, 1), lambda i: (0, 0)),
        ],
        out_specs=pl.BlockSpec((1, HID), lambda i: (0, 0)),
        out_shape=jax.ShapeDtypeStruct((1, HID), f32),
    )(x, h_p, tree_vec, wid3, pt3, W_w, wb, Wo_w, wob, U_w, ub, us, usb)



def kernel(wid, edge_index, p_targets, tree_vec, m, emb, W_w, W_b, U_w, U_b,
           Wo_w, Wo_b, Us_w, Us_b, Wz_w, Wz_b, Wr_w, Ur_w, Ur_b, Wh_w, Wh_b):
    src = edge_index[0]
    dst = edge_index[1]
    zeros = jnp.zeros((N, HID), f32)
    wid3 = wid.reshape(GN, 1, BN)
    pt3 = p_targets.reshape(GN, 1, BN)

    x, a = _tc_xa(wid3, emb, Wr_w, Ur_b.reshape(1, HID))
    nm_p = _seg_sum(m, dst, zeros)
    a_dst = _gather(a, dst)
    rm = _tc_rm(m, a_dst, Ur_w)
    nrm_p = _seg_sum(rm, dst, zeros)
    mn = _tc_mn(x, nm_p, nrm_p, Wz_w, Wz_b.reshape(1, HID),
                Wh_w, Wh_b.reshape(1, HID))
    h_p = _gather_seg_sum(mn, src, dst, zeros)
    out = _tc_loss(x, h_p, tree_vec, wid3, pt3,
                   W_w, W_b.reshape(1, HID), Wo_w, Wo_b.reshape(1, VOCAB),
                   U_w, U_b.reshape(1, HID), Us_w.reshape(1, HID),
                   Us_b.reshape(1, 1))
    return out[0, :4]

# --- scband reference (transcript-rebuilt; emitter-appended) ---
"""Pipeline reference for scband-dgljtnndecoder-69853348102867 (READ-ONLY COPY).

The authoritative reference and input builder live on the scoring server;
editing this copy changes nothing except your own understanding.
"""

import jax, jax.numpy as jnp
import numpy as np

VOCAB = 800
HID = 128
LAT = 64
N = 10000
E = 320000
N_TREES = 256


def setup_inputs(seed: int = 0) -> dict:
    key = jax.random.key(seed)
    ks = jax.random.split(key, 24)
    inp = {}
    inp['wid'] = jax.random.randint(ks[0], (N,), 0, VOCAB, dtype=jnp.int32)
    inp['edge_index'] = jax.random.randint(ks[1], (2, E), 0, N, dtype=jnp.int32)
    inp['p_targets'] = jax.random.randint(ks[2], (N,), 0, 2, dtype=jnp.int32)
    inp['tree_vec'] = jax.random.normal(ks[3], (N, LAT), dtype=jnp.float32)
    inp['m'] = jax.random.normal(ks[4], (E, HID), dtype=jnp.float32) * 0.1
    # learned parameters
    inp['emb'] = jax.random.normal(ks[5], (VOCAB, HID), dtype=jnp.float32) * 0.1
    inp['W_w'] = jax.random.normal(ks[6], (LAT + HID, HID), dtype=jnp.float32) * 0.05
    inp['W_b'] = jnp.zeros((HID,), dtype=jnp.float32)
    inp['U_w'] = jax.random.normal(ks[7], (LAT + 2 * HID, HID), dtype=jnp.float32) * 0.05
    inp['U_b'] = jnp.zeros((HID,), dtype=jnp.float32)
    inp['Wo_w'] = jax.random.normal(ks[8], (HID, VOCAB), dtype=jnp.float32) * 0.05
    inp['Wo_b'] = jnp.zeros((VOCAB,), dtype=jnp.float32)
    inp['Us_w'] = jax.random.normal(ks[9], (HID, 1), dtype=jnp.float32) * 0.05
    inp['Us_b'] = jnp.zeros((1,), dtype=jnp.float32)
    # GRUUpdate params
    inp['Wz_w'] = jax.random.normal(ks[10], (2 * HID, HID), dtype=jnp.float32) * 0.05
    inp['Wz_b'] = jnp.zeros((HID,), dtype=jnp.float32)
    inp['Wr_w'] = jax.random.normal(ks[11], (HID, HID), dtype=jnp.float32) * 0.05
    inp['Ur_w'] = jax.random.normal(ks[12], (HID, HID), dtype=jnp.float32) * 0.05
    inp['Ur_b'] = jnp.zeros((HID,), dtype=jnp.float32)
    inp['Wh_w'] = jax.random.normal(ks[13], (2 * HID, HID), dtype=jnp.float32) * 0.05
    inp['Wh_b'] = jnp.zeros((HID,), dtype=jnp.float32)
    return inp


def reference(wid, edge_index, p_targets, tree_vec, m, emb, W_w, W_b, U_w, U_b,
              Wo_w, Wo_b, Us_w, Us_b, Wz_w, Wz_b, Wr_w, Ur_w, Ur_b, Wh_w, Wh_b):
    src = edge_index[0]
    dst = edge_index[1]
    # node embeddings (gather from embedding table)
    x = jnp.take(emb, wid, axis=0)
    src_x = jnp.take(x, src, axis=0)
    dst_x = jnp.take(x, dst, axis=0)
    # message aggregation: s_e = sum of messages arriving at src(e) (line-graph pull)
    node_m = jax.ops.segment_sum(m, dst, num_segments=N)
    s = jnp.take(node_m, src, axis=0)
    # GRUUpdate: reset gate per incoming edge
    r = jax.nn.sigmoid(dst_x @ Wr_w + m @ Ur_w + Ur_b)
    rm = r * m
    node_rm = jax.ops.segment_sum(rm, dst, num_segments=N)
    accum_rm = jnp.take(node_rm, src, axis=0)
    z = jax.nn.sigmoid(jnp.concatenate([src_x, s], axis=1) @ Wz_w + Wz_b)
    h_tilde = jnp.tanh(jnp.concatenate([src_x, accum_rm], axis=1) @ Wh_w + Wh_b)
    m_new = (1.0 - z) * s + z * h_tilde
    # node hidden: sum of updated incoming edge messages
    h = jax.ops.segment_sum(m_new, dst, num_segments=N)
    # label (word) prediction head
    q_in = jnp.concatenate([h, tree_vec], axis=1)
    q = jax.nn.relu(q_in @ W_w + W_b) @ Wo_w + Wo_b
    # stop (topology) prediction head
    p_in = jnp.concatenate([x, h, tree_vec], axis=1)
    p = (jax.nn.relu(p_in @ U_w + U_b) @ Us_w + Us_b)[:, 0]
    pt = p_targets.astype(jnp.float32)
    # binary cross entropy with logits, sum reduction
    p_loss = jnp.sum(jnp.maximum(p, 0.0) - p * pt + jnp.log1p(jnp.exp(-jnp.abs(p)))) / N_TREES
    # cross entropy, sum reduction, targets = wid
    lse = jax.nn.logsumexp(q, axis=1)
    picked = jnp.take_along_axis(q, wid[:, None].astype(jnp.int32), axis=1)[:, 0]
    q_loss = jnp.sum(lse - picked) / N_TREES
    p_acc = jnp.sum(((p > 0).astype(jnp.int32) == p_targets).astype(jnp.float32)) / p_targets.shape[0]
    q_acc = jnp.sum((jnp.argmax(q, axis=1).astype(jnp.int32) == wid).astype(jnp.float32)) / wid.shape[0]
    return jnp.stack([q_loss, p_loss, q_acc, p_acc])

if __name__ == "__main__":
    import jax
    _d = setup_inputs()
    print(jax.jit(kernel)(*tuple(_d.values())))

</pallas_src>

<mosaic_0001>
#map = affine_map<(d0, d1) -> (0, 0)>
#map1 = affine_map<(d0, d1) -> (0)>
#map2 = affine_map<(d0, d1) -> (0, 0, 0)>
module attributes {stable_mosaic.version = 14 : i64} {
  func.func @_seg_sum_body(%arg0: i32, %arg1: i32, %arg2: memref<320000x128xf32, #tpu.memory_space<hbm>>, %arg3: memref<320000xi32, #tpu.memory_space<hbm>>, %arg4: memref<10000x128xf32, #tpu.memory_space<hbm>>, %arg5: memref<2x10000x128xf32, #tpu.memory_space<hbm>>, %arg6: memref<80xi32, #tpu.memory_space<vmem>>, %arg7: memref<80x128xf32, #tpu.memory_space<vmem>>, %arg8: memref<10000x128xf32, #tpu.memory_space<vmem_shared>>, %arg9: memref<!tpu.dma_semaphore, #tpu.memory_space<semaphore_mem>>) attributes {dimension_semantics = [#tpu.dimension_semantics<core_parallel>, #tpu.dimension_semantics<subcore_parallel>], iteration_bounds = array<i64: 2, 16>, scalar_prefetch = 0 : i64, scratch_operands = 4 : i64, tpu.core_type = #tpu.core_type<sc_vector_subcore>, window_params = [{transform_indices = #map}, {transform_indices = #map1}, {transform_indices = #map}, {transform_indices = #map2}]} {
    %mul3A = arith.constant 16 : i32
    %mul3A_0 = arith.muli %arg0, %mul3A : i32
    %add3A = arith.addi %mul3A_0, %arg1 : i32
    %mul3A_1 = arith.constant 624 : i32
    %mul3A_2 = arith.muli %arg1, %mul3A_1 : i32
    %multiple_of3A = tpu.assume_multiple %mul3A_2, 8 : i32
    "tpu.region"() ({
      %run_scoped3A = tpu.sem_alloc : memref<!tpu.dma_semaphore, #tpu.memory_space<semaphore_mem>>
      %dma_start3A = arith.constant 0 : i32
      %dma_start3A_19 = tpu.memref_slice %arg8[%multiple_of3A, %dma_start3A] : memref<10000x128xf32, #tpu.memory_space<vmem_shared>> -> memref<624x128xf32, #tpu.memory_space<vmem_shared>>
      %dma_start3A_20 = arith.constant 0 : i32
      %dma_start3A_21 = tpu.memref_slice %arg4[%multiple_of3A, %dma_start3A_20] : memref<10000x128xf32, #tpu.memory_space<hbm>> -> memref<624x128xf32, #tpu.memory_space<hbm>>
      tpu.enqueue_dma source(%dma_start3A_21 : memref<624x128xf32, #tpu.memory_space<hbm>>) target(%dma_start3A_19 : memref<624x128xf32, #tpu.memory_space<vmem_shared>>) target_semaphore(%run_scoped3A : memref<!tpu.dma_semaphore, #tpu.memory_space<semaphore_mem>>)
      %dma_wait3A = arith.constant 0 : i32
      %dma_wait3A_22 = tpu.memref_slice %arg8[%multiple_of3A, %dma_wait3A] : memref<10000x128xf32, #tpu.memory_space<vmem_shared>> -> memref<624x128xf32, #tpu.memory_space<vmem_shared>>
      %dma_wait3A_23 = arith.constant 0 : i32
      %dma_wait3A_24 = tpu.memref_slice %arg4[%multiple_of3A, %dma_wait3A_23] : memref<10000x128xf32, #tpu.memory_space<hbm>> -> memref<624x128xf32, #tpu.memory_space<hbm>>
      tpu.wait_dma2 semaphore(%run_scoped3A : memref<!tpu.dma_semaphore, #tpu.memory_space<semaphore_mem>>) src(%dma_wait3A_24 : memref<624x128xf32, #tpu.memory_space<hbm>>) dst(%dma_wait3A_22 : memref<624x128xf32, #tpu.memory_space<vmem_shared>>)
      tpu.yield
    }) : () -> ()
    %eq3A = arith.constant 0 : i32
    %eq3A_3 = arith.cmpi eq, %arg1, %eq3A : i32
    %convert_element_type3A = arith.extui %eq3A_3 : i1 to i32
    %cond3A = arith.constant 0 : i32
    %cond3A_4 = arith.cmpi ne, %convert_element_type3A, %cond3A : i32
    scf.if %cond3A_4 {
      "tpu.region"() ({
        %run_scoped3A = tpu.sem_alloc : memref<!tpu.dma_semaphore, #tpu.memory_space<semaphore_mem>>
        %dma_start3A = arith.constant 9984 : i32
        %dma_start3A_19 = arith.constant 0 : i32
        %dma_start3A_20 = tpu.memref_slice %arg8[%dma_start3A, %dma_start3A_19] : memref<10000x128xf32, #tpu.memory_space<vmem_shared>> -> memref<16x128xf32, #tpu.memory_space<vmem_shared>>
        %dma_start3A_21 = arith.constant 9984 : i32
        %dma_start3A_22 = arith.constant 0 : i32
        %dma_start3A_23 = tpu.memref_slice %arg4[%dma_start3A_21, %dma_start3A_22] : memref<10000x128xf32, #tpu.memory_space<hbm>> -> memref<16x128xf32, #tpu.memory_space<hbm>>
        tpu.enqueue_dma source(%dma_start3A_23 : memref<16x128xf32, #tpu.memory_space<hbm>>) target(%dma_start3A_20 : memref<16x128xf32, #tpu.memory_space<vmem_shared>>) target_semaphore(%run_scoped3A : memref<!tpu.dma_semaphore, #tpu.memory_space<semaphore_mem>>)
        %dma_wait3A = arith.constant 9984 : i32
        %dma_wait3A_24 = arith.constant 0 : i32
        %dma_wait3A_25 = tpu.memref_slice %arg8[%dma_wait3A, %dma_wait3A_24] : memref<10000x128xf32, #tpu.memory_space<vmem_shared>> -> memref<16x128xf32, #tpu.memory_space<vmem_shared>>
        %dma_wait3A_26 = arith.constant 9984 : i32
        %dma_wait3A_27 = arith.constant 0 : i32
        %dma_wait3A_28 = tpu.memref_slice %arg4[%dma_wait3A_26, %dma_wait3A_27] : memref<10000x128xf32, #tpu.memory_space<hbm>> -> memref<16x128xf32, #tpu.memory_space<hbm>>
        tpu.wait_dma2 semaphore(%run_scoped3A : memref<!tpu.dma_semaphore, #tpu.memory_space<semaphore_mem>>) src(%dma_wait3A_28 : memref<16x128xf32, #tpu.memory_space<hbm>>) dst(%dma_wait3A_25 : memref<16x128xf32, #tpu.memory_space<vmem_shared>>)
        tpu.yield
      }) : () -> ()
    } else {
    }
    %barrier3A = arith.constant 0 : index
    tpu.barrier barrier_id(%barrier3A)
    %scan3A = arith.constant 0 : i32
    %scan3A_5 = arith.constant 0 : i32
    %scan3A_6 = arith.constant 125 : i32
    %scan3A_7 = arith.addi %scan3A_5, %scan3A_6 : i32
    %scan3A_8 = arith.constant 1 : i32
    scf.for %scan3A_19 = %scan3A_5 to %scan3A_7 step %scan3A_8  : i32 {
      %mul3A_20 = arith.constant 10000 : i32
      %mul3A_21 = arith.muli %add3A, %mul3A_20 : i32
      %mul3A_22 = arith.constant 80 : i32
      %mul3A_23 = arith.muli %scan3A_19, %mul3A_22 : i32
      %add3A_24 = arith.addi %mul3A_21, %mul3A_23 : i32
      %multiple_of3A_25 = tpu.assume_multiple %add3A_24, 8 : i32
      "tpu.region"() ({
        %run_scoped3A = tpu.sem_alloc : memref<!tpu.dma_semaphore, #tpu.memory_space<semaphore_mem>>
        %dma_start3A_32 = tpu.memref_slice %arg3[%multiple_of3A_25] : memref<320000xi32, #tpu.memory_space<hbm>> -> memref<80xi32, #tpu.memory_space<hbm>>
        %dma_start3A_33 = tpu.memref_slice %arg3[%multiple_of3A_25] : memref<320000xi32, #tpu.memory_space<hbm>> -> memref<80xi32, #tpu.memory_space<hbm>>
        tpu.enqueue_dma source(%dma_start3A_33 : memref<80xi32, #tpu.memory_space<hbm>>) target(%arg6 : memref<80xi32, #tpu.memory_space<vmem>>) target_semaphore(%run_scoped3A : memref<!tpu.dma_semaphore, #tpu.memory_space<semaphore_mem>>)
        %dma_wait3A_34 = tpu.memref_slice %arg3[%multiple_of3A_25] : memref<320000xi32, #tpu.memory_space<hbm>> -> memref<80xi32, #tpu.memory_space<hbm>>
        %dma_wait3A_35 = tpu.memref_slice %arg3[%multiple_of3A_25] : memref<320000xi32, #tpu.memory_space<hbm>> -> memref<80xi32, #tpu.memory_space<hbm>>
        tpu.wait_dma2 semaphore(%run_scoped3A : memref<!tpu.dma_semaphore, #tpu.memory_space<semaphore_mem>>) src(%dma_wait3A_35 : memref<80xi32, #tpu.memory_space<hbm>>) dst(%arg6 : memref<80xi32, #tpu.memory_space<vmem>>)
        tpu.yield
      }) : () -> ()
      %dma_start3A = arith.constant 0 : i32
      %dma_start3A_26 = tpu.memref_slice %arg2[%multiple_of3A_25, %dma_start3A] : memref<320000x128xf32, #tpu.memory_space<hbm>> -> memref<80x128xf32, #tpu.memory_space<hbm>>
      %dma_start3A_27 = arith.constant 0 : i32
      %dma_start3A_28 = tpu.memref_slice %arg2[%multiple_of3A_25, %dma_start3A_27] : memref<320000x128xf32, #tpu.memory_space<hbm>> -> memref<80x128xf32, #tpu.memory_space<hbm>>
      tpu.enqueue_dma source(%dma_start3A_28 : memref<80x128xf32, #tpu.memory_space<hbm>>) target(%arg7 : memref<80x128xf32, #tpu.memory_space<vmem>>) target_semaphore(%arg9 : memref<!tpu.dma_semaphore, #tpu.memory_space<semaphore_mem>>)
      %dma_wait3A = arith.constant 0 : i32
      %dma_wait3A_29 = tpu.memref_slice %arg2[%multiple_of3A_25, %dma_wait3A] : memref<320000x128xf32, #tpu.memory_space<hbm>> -> memref<80x128xf32, #tpu.memory_space<hbm>>
      %dma_wait3A_30 = arith.constant 0 : i32
      %dma_wait3A_31 = tpu.memref_slice %arg2[%multiple_of3A_25, %dma_wait3A_30] : memref<320000x128xf32, #tpu.memory_space<hbm>> -> memref<80x128xf32, #tpu.memory_space<hbm>>
      tpu.wait_dma2 semaphore(%arg9 : memref<!tpu.dma_semaphore, #tpu.memory_space<semaphore_mem>>) src(%dma_wait3A_31 : memref<80x128xf32, #tpu.memory_space<hbm>>) dst(%arg7 : memref<80x128xf32, #tpu.memory_space<vmem>>)
      "tpu.region"() ({
        %run_scoped3A = tpu.sem_alloc : memref<!tpu.dma_semaphore, #tpu.memory_space<semaphore_mem>>
        %dma_start3A_32 = arith.constant 0 : i32
        %dma_start3A_33 = arith.constant 0 : i32
        %dma_start3A_34 = tpu.memref_slice %arg8[%dma_start3A_32, %dma_start3A_33] : memref<10000x128xf32, #tpu.memory_space<vmem_shared>> -> memref<10000x128xf32, #tpu.memory_space<vmem_shared>>
        tpu.enqueue_indirect_dma source(%arg7 : memref<80x128xf32, #tpu.memory_space<vmem>>) target(%dma_start3A_34 : memref<10000x128xf32, #tpu.memory_space<vmem_shared>>) offsets(%arg6 : memref<80xi32, #tpu.memory_space<vmem>>) semaphore(%run_scoped3A : memref<!tpu.dma_semaphore, #tpu.memory_space<semaphore_mem>>) {add = true}
        %dma_wait3A_35 = arith.constant 0 : i32
        %dma_wait3A_36 = arith.constant 0 : i32
        %dma_wait3A_37 = tpu.memref_slice %arg8[%dma_wait3A_35, %dma_wait3A_36] : memref<10000x128xf32, #tpu.memory_space<vmem_shared>> -> memref<10000x128xf32, #tpu.memory_space<vmem_shared>>
        tpu.wait_indirect_dma semaphore(%run_scoped3A : memref<!tpu.dma_semaphore, #tpu.memory_space<semaphore_mem>>) src(%arg7 : memref<80x128xf32, #tpu.memory_space<vmem>>) dst(%dma_wait3A_37 : memref<10000x128xf32, #tpu.memory_space<vmem_shared>>)
        tpu.yield
      }) : () -> ()
    }
    %scan3A_9 = arith.constant 125 : i32
    %barrier3A_10 = arith.constant 0 : index
    tpu.barrier barrier_id(%barrier3A_10)
    %mul3A_11 = arith.constant 624 : i32
    %mul3A_12 = arith.muli %arg1, %mul3A_11 : i32
    %multiple_of3A_13 = tpu.assume_multiple %mul3A_12, 8 : i32
    "tpu.region"() ({
      %run_scoped3A = tpu.sem_alloc : memref<!tpu.dma_semaphore, #tpu.memory_space<semaphore_mem>>
      %dma_start3A = arith.constant 0 : i32
      %dma_start3A_19 = tpu.memref_slice %arg5[%arg0, %multiple_of3A_13, %dma_start3A] : memref<2x10000x128xf32, #tpu.memory_space<hbm>> -> memref<1x624x128xf32, #tpu.memory_space<hbm>>
      %dma_start3A_20 = tpu.memref_squeeze %dma_start3A_19 : memref<1x624x128xf32, #tpu.memory_space<hbm>> -> memref<624x128xf32, #tpu.memory_space<hbm>>
      %dma_start3A_21 = arith.constant 0 : i32
      %dma_start3A_22 = tpu.memref_slice %arg8[%multiple_of3A_13, %dma_start3A_21] : memref<10000x128xf32, #tpu.memory_space<vmem_shared>> -> memref<624x128xf32, #tpu.memory_space<vmem_shared>>
      tpu.enqueue_dma source(%dma_start3A_22 : memref<624x128xf32, #tpu.memory_space<vmem_shared>>) target(%dma_start3A_20 : memref<624x128xf32, #tpu.memory_space<hbm>>) target_semaphore(%run_scoped3A : memref<!tpu.dma_semaphore, #tpu.memory_space<semaphore_mem>>)
      %dma_wait3A = arith.constant 0 : i32
      %dma_wait3A_23 = tpu.memref_slice %arg5[%arg0, %multiple_of3A_13, %dma_wait3A] : memref<2x10000x128xf32, #tpu.memory_space<hbm>> -> memref<1x624x128xf32, #tpu.memory_space<hbm>>
      %dma_wait3A_24 = tpu.memref_squeeze %dma_wait3A_23 : memref<1x624x128xf32, #tpu.memory_space<hbm>> -> memref<624x128xf32, #tpu.memory_space<hbm>>
      %dma_wait3A_25 = arith.constant 0 : i32
      %dma_wait3A_26 = tpu.memref_slice %arg8[%multiple_of3A_13, %dma_wait3A_25] : memref<10000x128xf32, #tpu.memory_space<vmem_shared>> -> memref<624x128xf32, #tpu.memory_space<vmem_shared>>
      tpu.wait_dma2 semaphore(%run_scoped3A : memref<!tpu.dma_semaphore, #tpu.memory_space<semaphore_mem>>) src(%dma_wait3A_26 : memref<624x128xf32, #tpu.memory_space<vmem_shared>>) dst(%dma_wait3A_24 : memref<624x128xf32, #tpu.memory_space<hbm>>)
      tpu.yield
    }) : () -> ()
    %eq3A_14 = arith.constant 0 : i32
    %eq3A_15 = arith.cmpi eq, %arg1, %eq3A_14 : i32
    %convert_element_type3A_16 = arith.extui %eq3A_15 : i1 to i32
    %cond3A_17 = arith.constant 0 : i32
    %cond3A_18 = arith.cmpi ne, %convert_element_type3A_16, %cond3A_17 : i32
    scf.if %cond3A_18 {
      "tpu.region"() ({
        %run_scoped3A = tpu.sem_alloc : memref<!tpu.dma_semaphore, #tpu.memory_space<semaphore_mem>>
        %dma_start3A = arith.constant 9984 : i32
        %dma_start3A_19 = arith.constant 0 : i32
        %dma_start3A_20 = tpu.memref_slice %arg5[%arg0, %dma_start3A, %dma_start3A_19] : memref<2x10000x128xf32, #tpu.memory_space<hbm>> -> memref<1x16x128xf32, #tpu.memory_space<hbm>>
        %dma_start3A_21 = tpu.memref_squeeze %dma_start3A_20 : memref<1x16x128xf32, #tpu.memory_space<hbm>> -> memref<16x128xf32, #tpu.memory_space<hbm>>
        %dma_start3A_22 = arith.constant 9984 : i32
        %dma_start3A_23 = arith.constant 0 : i32
        %dma_start3A_24 = tpu.memref_slice %arg8[%dma_start3A_22, %dma_start3A_23] : memref<10000x128xf32, #tpu.memory_space<vmem_shared>> -> memref<16x128xf32, #tpu.memory_space<vmem_shared>>
        tpu.enqueue_dma source(%dma_start3A_24 : memref<16x128xf32, #tpu.memory_space<vmem_shared>>) target(%dma_start3A_21 : memref<16x128xf32, #tpu.memory_space<hbm>>) target_semaphore(%run_scoped3A : memref<!tpu.dma_semaphore, #tpu.memory_space<semaphore_mem>>)
        %dma_wait3A = arith.constant 9984 : i32
        %dma_wait3A_25 = arith.constant 0 : i32
        %dma_wait3A_26 = tpu.memref_slice %arg5[%arg0, %dma_wait3A, %dma_wait3A_25] : memref<2x10000x128xf32, #tpu.memory_space<hbm>> -> memref<1x16x128xf32, #tpu.memory_space<hbm>>
        %dma_wait3A_27 = tpu.memref_squeeze %dma_wait3A_26 : memref<1x16x128xf32, #tpu.memory_space<hbm>> -> memref<16x128xf32, #tpu.memory_space<hbm>>
        %dma_wait3A_28 = arith.constant 9984 : i32
        %dma_wait3A_29 = arith.constant 0 : i32
        %dma_wait3A_30 = tpu.memref_slice %arg8[%dma_wait3A_28, %dma_wait3A_29] : memref<10000x128xf32, #tpu.memory_space<vmem_shared>> -> memref<16x128xf32, #tpu.memory_space<vmem_shared>>
        tpu.wait_dma2 semaphore(%run_scoped3A : memref<!tpu.dma_semaphore, #tpu.memory_space<semaphore_mem>>) src(%dma_wait3A_30 : memref<16x128xf32, #tpu.memory_space<vmem_shared>>) dst(%dma_wait3A_27 : memref<16x128xf32, #tpu.memory_space<hbm>>)
        tpu.yield
      }) : () -> ()
    } else {
    }
    return
  }
}

#map = affine_map<(d0, d1) -> (0, 0)>
#map1 = affine_map<(d0, d1) -> (0)>
module attributes {stable_mosaic.version = 14 : i64} {
  func.func @_gather_body(%arg0: i32, %arg1: i32, %arg2: memref<10000x128xf32, #tpu.memory_space<hbm>>, %arg3: memref<320000xi32, #tpu.memory_space<hbm>>, %arg4: memref<320000x128xf32, #tpu.memory_space<hbm>>, %arg5: memref<80xi32, #tpu.memory_space<vmem>>, %arg6: memref<80x128xf32, #tpu.memory_space<vmem>>, %arg7: memref<!tpu.dma_semaphore, #tpu.memory_space<semaphore_mem>>) attributes {dimension_semantics = [#tpu.dimension_semantics<core_parallel>, #tpu.dimension_semantics<subcore_parallel>], iteration_bounds = array<i64: 2, 16>, scalar_prefetch = 0 : i64, scratch_operands = 3 : i64, tpu.core_type = #tpu.core_type<sc_vector_subcore>, window_params = [{transform_indices = #map}, {transform_indices = #map1}, {transform_indices = #map}]} {
    %mul3A = arith.constant 16 : i32
    %mul3A_0 = arith.muli %arg0, %mul3A : i32
    %add3A = arith.addi %mul3A_0, %arg1 : i32
    %scan3A = arith.constant 0 : i32
    %scan3A_1 = arith.constant 0 : i32
    %scan3A_2 = arith.constant 125 : i32
    %scan3A_3 = arith.addi %scan3A_1, %scan3A_2 : i32
    %scan3A_4 = arith.constant 1 : i32
    scf.for %scan3A_6 = %scan3A_1 to %scan3A_3 step %scan3A_4  : i32 {
      %mul3A_7 = arith.constant 10000 : i32
      %mul3A_8 = arith.muli %add3A, %mul3A_7 : i32
      %mul3A_9 = arith.constant 80 : i32
      %mul3A_10 = arith.muli %scan3A_6, %mul3A_9 : i32
      %add3A_11 = arith.addi %mul3A_8, %mul3A_10 : i32
      %multiple_of3A = tpu.assume_multiple %add3A_11, 8 : i32
      "tpu.region"() ({
        %run_scoped3A = tpu.sem_alloc : memref<!tpu.dma_semaphore, #tpu.memory_space<semaphore_mem>>
        %dma_start3A_16 = tpu.memref_slice %arg3[%multiple_of3A] : memref<320000xi32, #tpu.memory_space<hbm>> -> memref<80xi32, #tpu.memory_space<hbm>>
        %dma_start3A_17 = tpu.memref_slice %arg3[%multiple_of3A] : memref<320000xi32, #tpu.memory_space<hbm>> -> memref<80xi32, #tpu.memory_space<hbm>>
        tpu.enqueue_dma source(%dma_start3A_17 : memref<80xi32, #tpu.memory_space<hbm>>) target(%arg5 : memref<80xi32, #tpu.memory_space<vmem>>) target_semaphore(%run_scoped3A : memref<!tpu.dma_semaphore, #tpu.memory_space<semaphore_mem>>)
        %dma_wait3A_18 = tpu.memref_slice %arg3[%multiple_of3A] : memref<320000xi32, #tpu.memory_space<hbm>> -> memref<80xi32, #tpu.memory_space<hbm>>
        %dma_wait3A_19 = tpu.memref_slice %arg3[%multiple_of3A] : memref<320000xi32, #tpu.memory_space<hbm>> -> memref<80xi32, #tpu.memory_space<hbm>>
        tpu.wait_dma2 semaphore(%run_scoped3A : memref<!tpu.dma_semaphore, #tpu.memory_space<semaphore_mem>>) src(%dma_wait3A_19 : memref<80xi32, #tpu.memory_space<hbm>>) dst(%arg5 : memref<80xi32, #tpu.memory_space<vmem>>)
        tpu.yield
      }) : () -> ()
      %dma_start3A = arith.constant 0 : i32
      %dma_start3A_12 = arith.constant 0 : i32
      %dma_start3A_13 = tpu.memref_slice %arg2[%dma_start3A, %dma_start3A_12] : memref<10000x128xf32, #tpu.memory_space<hbm>> -> memref<10000x128xf32, #tpu.memory_space<hbm>>
      tpu.enqueue_indirect_dma source(%dma_start3A_13 : memref<10000x128xf32, #tpu.memory_space<hbm>>) target(%arg6 : memref<80x128xf32, #tpu.memory_space<vmem>>) offsets(%arg5 : memref<80xi32, #tpu.memory_space<vmem>>) semaphore(%arg7 : memref<!tpu.dma_semaphore, #tpu.memory_space<semaphore_mem>>)
      %dma_wait3A = arith.constant 0 : i32
      %dma_wait3A_14 = arith.constant 0 : i32
      %dma_wait3A_15 = tpu.memref_slice %arg2[%dma_wait3A, %dma_wait3A_14] : memref<10000x128xf32, #tpu.memory_space<hbm>> -> memref<10000x128xf32, #tpu.memory_space<hbm>>
      tpu.wait_indirect_dma semaphore(%arg7 : memref<!tpu.dma_semaphore, #tpu.memory_space<semaphore_mem>>) src(%dma_wait3A_15 : memref<10000x128xf32, #tpu.memory_space<hbm>>) dst(%arg6 : memref<80x128xf32, #tpu.memory_space<vmem>>)
      "tpu.region"() ({
        %run_scoped3A = tpu.sem_alloc : memref<!tpu.dma_semaphore, #tpu.memory_space<semaphore_mem>>
        %dma_start3A_16 = arith.constant 0 : i32
        %dma_start3A_17 = tpu.memref_slice %arg4[%multiple_of3A, %dma_start3A_16] : memref<320000x128xf32, #tpu.memory_space<hbm>> -> memref<80x128xf32, #tpu.memory_space<hbm>>
        %dma_start3A_18 = arith.constant 0 : i32
        %dma_start3A_19 = tpu.memref_slice %arg4[%multiple_of3A, %dma_start3A_18] : memref<320000x128xf32, #tpu.memory_space<hbm>> -> memref<80x128xf32, #tpu.memory_space<hbm>>
        tpu.enqueue_dma source(%arg6 : memref<80x128xf32, #tpu.memory_space<vmem>>) target(%dma_start3A_19 : memref<80x128xf32, #tpu.memory_space<hbm>>) target_semaphore(%run_scoped3A : memref<!tpu.dma_semaphore, #tpu.memory_space<semaphore_mem>>)
        %dma_wait3A_20 = arith.constant 0 : i32
        %dma_wait3A_21 = tpu.memref_slice %arg4[%multiple_of3A, %dma_wait3A_20] : memref<320000x128xf32, #tpu.memory_space<hbm>> -> memref<80x128xf32, #tpu.memory_space<hbm>>
        %dma_wait3A_22 = arith.constant 0 : i32
        %dma_wait3A_23 = tpu.memref_slice %arg4[%multiple_of3A, %dma_wait3A_22] : memref<320000x128xf32, #tpu.memory_space<hbm>> -> memref<80x128xf32, #tpu.memory_space<hbm>>
        tpu.wait_dma2 semaphore(%run_scoped3A : memref<!tpu.dma_semaphore, #tpu.memory_space<semaphore_mem>>) src(%arg6 : memref<80x128xf32, #tpu.memory_space<vmem>>) dst(%dma_wait3A_23 : memref<80x128xf32, #tpu.memory_space<hbm>>)
        tpu.yield
      }) : () -> ()
    }
    %scan3A_5 = arith.constant 125 : i32
    return
  }
}

#map = affine_map<(d0, d1) -> (0, 0)>
#map1 = affine_map<(d0, d1) -> (0)>
#map2 = affine_map<(d0, d1) -> (0, 0, 0)>
module attributes {stable_mosaic.version = 14 : i64} {
  func.func @_gs_body(%arg0: i32, %arg1: i32, %arg2: memref<10000x128xf32, #tpu.memory_space<hbm>>, %arg3: memref<320000xi32, #tpu.memory_space<hbm>>, %arg4: memref<320000xi32, #tpu.memory_space<hbm>>, %arg5: memref<10000x128xf32, #tpu.memory_space<hbm>>, %arg6: memref<2x10000x128xf32, #tpu.memory_space<hbm>>, %arg7: memref<80xi32, #tpu.memory_space<vmem>>, %arg8: memref<80xi32, #tpu.memory_space<vmem>>, %arg9: memref<80x128xf32, #tpu.memory_space<vmem>>, %arg10: memref<10000x128xf32, #tpu.memory_space<vmem_shared>>, %arg11: memref<!tpu.dma_semaphore, #tpu.memory_space<semaphore_mem>>) attributes {dimension_semantics = [#tpu.dimension_semantics<core_parallel>, #tpu.dimension_semantics<subcore_parallel>], iteration_bounds = array<i64: 2, 16>, scalar_prefetch = 0 : i64, scratch_operands = 5 : i64, tpu.core_type = #tpu.core_type<sc_vector_subcore>, window_params = [{transform_indices = #map}, {transform_indices = #map1}, {transform_indices = #map1}, {transform_indices = #map}, {transform_indices = #map2}]} {
    %mul3A = arith.constant 16 : i32
    %mul3A_0 = arith.muli %arg0, %mul3A : i32
    %add3A = arith.addi %mul3A_0, %arg1 : i32
    %mul3A_1 = arith.constant 624 : i32
    %mul3A_2 = arith.muli %arg1, %mul3A_1 : i32
    %multiple_of3A = tpu.assume_multiple %mul3A_2, 8 : i32
    "tpu.region"() ({
      %run_scoped3A = tpu.sem_alloc : memref<!tpu.dma_semaphore, #tpu.memory_space<semaphore_mem>>
      %dma_start3A = arith.constant 0 : i32
      %dma_start3A_19 = tpu.memref_slice %arg10[%multiple_of3A, %dma_start3A] : memref<10000x128xf32, #tpu.memory_space<vmem_shared>> -> memref<624x128xf32, #tpu.memory_space<vmem_shared>>
      %dma_start3A_20 = arith.constant 0 : i32
      %dma_start3A_21 = tpu.memref_slice %arg5[%multiple_of3A, %dma_start3A_20] : memref<10000x128xf32, #tpu.memory_space<hbm>> -> memref<624x128xf32, #tpu.memory_space<hbm>>
      tpu.enqueue_dma source(%dma_start3A_21 : memref<624x128xf32, #tpu.memory_space<hbm>>) target(%dma_start3A_19 : memref<624x128xf32, #tpu.memory_space<vmem_shared>>) target_semaphore(%run_scoped3A : memref<!tpu.dma_semaphore, #tpu.memory_space<semaphore_mem>>)
      %dma_wait3A = arith.constant 0 : i32
      %dma_wait3A_22 = tpu.memref_slice %arg10[%multiple_of3A, %dma_wait3A] : memref<10000x128xf32, #tpu.memory_space<vmem_shared>> -> memref<624x128xf32, #tpu.memory_space<vmem_shared>>
      %dma_wait3A_23 = arith.constant 0 : i32
      %dma_wait3A_24 = tpu.memref_slice %arg5[%multiple_of3A, %dma_wait3A_23] : memref<10000x128xf32, #tpu.memory_space<hbm>> -> memref<624x128xf32, #tpu.memory_space<hbm>>
      tpu.wait_dma2 semaphore(%run_scoped3A : memref<!tpu.dma_semaphore, #tpu.memory_space<semaphore_mem>>) src(%dma_wait3A_24 : memref<624x128xf32, #tpu.memory_space<hbm>>) dst(%dma_wait3A_22 : memref<624x128xf32, #tpu.memory_space<vmem_shared>>)
      tpu.yield
    }) : () -> ()
    %eq3A = arith.constant 0 : i32
    %eq3A_3 = arith.cmpi eq, %arg1, %eq3A : i32
    %convert_element_type3A = arith.extui %eq3A_3 : i1 to i32
    %cond3A = arith.constant 0 : i32
    %cond3A_4 = arith.cmpi ne, %convert_element_type3A, %cond3A : i32
    scf.if %cond3A_4 {
      "tpu.region"() ({
        %run_scoped3A = tpu.sem_alloc : memref<!tpu.dma_semaphore, #tpu.memory_space<semaphore_mem>>
        %dma_start3A = arith.constant 9984 : i32
        %dma_start3A_19 = arith.constant 0 : i32
        %dma_start3A_20 = tpu.memref_slice %arg10[%dma_start3A, %dma_start3A_19] : memref<10000x128xf32, #tpu.memory_space<vmem_shared>> -> memref<16x128xf32, #tpu.memory_space<vmem_shared>>
        %dma_start3A_21 = arith.constant 9984 : i32
        %dma_start3A_22 = arith.constant 0 : i32
        %dma_start3A_23 = tpu.memref_slice %arg5[%dma_start3A_21, %dma_start3A_22] : memref<10000x128xf32, #tpu.memory_space<hbm>> -> memref<16x128xf32, #tpu.memory_space<hbm>>
        tpu.enqueue_dma source(%dma_start3A_23 : memref<16x128xf32, #tpu.memory_space<hbm>>) target(%dma_start3A_20 : memref<16x128xf32, #tpu.memory_space<vmem_shared>>) target_semaphore(%run_scoped3A : memref<!tpu.dma_semaphore, #tpu.memory_space<semaphore_mem>>)
        %dma_wait3A = arith.constant 9984 : i32
        %dma_wait3A_24 = arith.constant 0 : i32
        %dma_wait3A_25 = tpu.memref_slice %arg10[%dma_wait3A, %dma_wait3A_24] : memref<10000x128xf32, #tpu.memory_space<vmem_shared>> -> memref<16x128xf32, #tpu.memory_space<vmem_shared>>
        %dma_wait3A_26 = arith.constant 9984 : i32
        %dma_wait3A_27 = arith.constant 0 : i32
        %dma_wait3A_28 = tpu.memref_slice %arg5[%dma_wait3A_26, %dma_wait3A_27] : memref<10000x128xf32, #tpu.memory_space<hbm>> -> memref<16x128xf32, #tpu.memory_space<hbm>>
        tpu.wait_dma2 semaphore(%run_scoped3A : memref<!tpu.dma_semaphore, #tpu.memory_space<semaphore_mem>>) src(%dma_wait3A_28 : memref<16x128xf32, #tpu.memory_space<hbm>>) dst(%dma_wait3A_25 : memref<16x128xf32, #tpu.memory_space<vmem_shared>>)
        tpu.yield
      }) : () -> ()
    } else {
    }
    %barrier3A = arith.constant 0 : index
    tpu.barrier barrier_id(%barrier3A)
    %scan3A = arith.constant 0 : i32
    %scan3A_5 = arith.constant 0 : i32
    %scan3A_6 = arith.constant 125 : i32
    %scan3A_7 = arith.addi %scan3A_5, %scan3A_6 : i32
    %scan3A_8 = arith.constant 1 : i32
    scf.for %scan3A_19 = %scan3A_5 to %scan3A_7 step %scan3A_8  : i32 {
      %mul3A_20 = arith.constant 10000 : i32
      %mul3A_21 = arith.muli %add3A, %mul3A_20 : i32
      %mul3A_22 = arith.constant 80 : i32
      %mul3A_23 = arith.muli %scan3A_19, %mul3A_22 : i32
      %add3A_24 = arith.addi %mul3A_21, %mul3A_23 : i32
      %multiple_of3A_25 = tpu.assume_multiple %add3A_24, 8 : i32
      "tpu.region"() ({
        %run_scoped3A = tpu.sem_alloc : memref<!tpu.dma_semaphore, #tpu.memory_space<semaphore_mem>>
        %dma_start3A_30 = tpu.memref_slice %arg3[%multiple_of3A_25] : memref<320000xi32, #tpu.memory_space<hbm>> -> memref<80xi32, #tpu.memory_space<hbm>>
        %dma_start3A_31 = tpu.memref_slice %arg3[%multiple_of3A_25] : memref<320000xi32, #tpu.memory_space<hbm>> -> memref<80xi32, #tpu.memory_space<hbm>>
        tpu.enqueue_dma source(%dma_start3A_31 : memref<80xi32, #tpu.memory_space<hbm>>) target(%arg7 : memref<80xi32, #tpu.memory_space<vmem>>) target_semaphore(%run_scoped3A : memref<!tpu.dma_semaphore, #tpu.memory_space<semaphore_mem>>)
        %dma_wait3A_32 = tpu.memref_slice %arg3[%multiple_of3A_25] : memref<320000xi32, #tpu.memory_space<hbm>> -> memref<80xi32, #tpu.memory_space<hbm>>
        %dma_wait3A_33 = tpu.memref_slice %arg3[%multiple_of3A_25] : memref<320000xi32, #tpu.memory_space<hbm>> -> memref<80xi32, #tpu.memory_space<hbm>>
        tpu.wait_dma2 semaphore(%run_scoped3A : memref<!tpu.dma_semaphore, #tpu.memory_space<semaphore_mem>>) src(%dma_wait3A_33 : memref<80xi32, #tpu.memory_space<hbm>>) dst(%arg7 : memref<80xi32, #tpu.memory_space<vmem>>)
        tpu.yield
      }) : () -> ()
      "tpu.region"() ({
        %run_scoped3A = tpu.sem_alloc : memref<!tpu.dma_semaphore, #tpu.memory_space<semaphore_mem>>
        %dma_start3A_30 = tpu.memref_slice %arg4[%multiple_of3A_25] : memref<320000xi32, #tpu.memory_space<hbm>> -> memref<80xi32, #tpu.memory_space<hbm>>
        %dma_start3A_31 = tpu.memref_slice %arg4[%multiple_of3A_25] : memref<320000xi32, #tpu.memory_space<hbm>> -> memref<80xi32, #tpu.memory_space<hbm>>
        tpu.enqueue_dma source(%dma_start3A_31 : memref<80xi32, #tpu.memory_space<hbm>>) target(%arg8 : memref<80xi32, #tpu.memory_space<vmem>>) target_semaphore(%run_scoped3A : memref<!tpu.dma_semaphore, #tpu.memory_space<semaphore_mem>>)
        %dma_wait3A_32 = tpu.memref_slice %arg4[%multiple_of3A_25] : memref<320000xi32, #tpu.memory_space<hbm>> -> memref<80xi32, #tpu.memory_space<hbm>>
        %dma_wait3A_33 = tpu.memref_slice %arg4[%multiple_of3A_25] : memref<320000xi32, #tpu.memory_space<hbm>> -> memref<80xi32, #tpu.memory_space<hbm>>
        tpu.wait_dma2 semaphore(%run_scoped3A : memref<!tpu.dma_semaphore, #tpu.memory_space<semaphore_mem>>) src(%dma_wait3A_33 : memref<80xi32, #tpu.memory_space<hbm>>) dst(%arg8 : memref<80xi32, #tpu.memory_space<vmem>>)
        tpu.yield
      }) : () -> ()
      %dma_start3A = arith.constant 0 : i32
      %dma_start3A_26 = arith.constant 0 : i32
      %dma_start3A_27 = tpu.memref_slice %arg2[%dma_start3A, %dma_start3A_26] : memref<10000x128xf32, #tpu.memory_space<hbm>> -> memref<10000x128xf32, #tpu.memory_space<hbm>>
      tpu.enqueue_indirect_dma source(%dma_start3A_27 : memref<10000x128xf32, #tpu.memory_space<hbm>>) target(%arg9 : memref<80x128xf32, #tpu.memory_space<vmem>>) offsets(%arg7 : memref<80xi32, #tpu.memory_space<vmem>>) semaphore(%arg11 : memref<!tpu.dma_semaphore, #tpu.memory_space<semaphore_mem>>)
      %dma_wait3A = arith.constant 0 : i32
      %dma_wait3A_28 = arith.constant 0 : i32
      %dma_wait3A_29 = tpu.memref_slice %arg2[%dma_wait3A, %dma_wait3A_28] : memref<10000x128xf32, #tpu.memory_space<hbm>> -> memref<10000x128xf32, #tpu.memory_space<hbm>>
      tpu.wait_indirect_dma semaphore(%arg11 : memref<!tpu.dma_semaphore, #tpu.memory_space<semaphore_mem>>) src(%dma_wait3A_29 : memref<10000x128xf32, #tpu.memory_space<hbm>>) dst(%arg9 : memref<80x128xf32, #tpu.memory_space<vmem>>)
      "tpu.region"() ({
        %run_scoped3A = tpu.sem_alloc : memref<!tpu.dma_semaphore, #tpu.memory_space<semaphore_mem>>
        %dma_start3A_30 = arith.constant 0 : i32
        %dma_start3A_31 = arith.constant 0 : i32
        %dma_start3A_32 = tpu.memref_slice %arg10[%dma_start3A_30, %dma_start3A_31] : memref<10000x128xf32, #tpu.memory_space<vmem_shared>> -> memref<10000x128xf32, #tpu.memory_space<vmem_shared>>
        tpu.enqueue_indirect_dma source(%arg9 : memref<80x128xf32, #tpu.memory_space<vmem>>) target(%dma_start3A_32 : memref<10000x128xf32, #tpu.memory_space<vmem_shared>>) offsets(%arg8 : memref<80xi32, #tpu.memory_space<vmem>>) semaphore(%run_scoped3A : memref<!tpu.dma_semaphore, #tpu.memory_space<semaphore_mem>>) {add = true}
        %dma_wait3A_33 = arith.constant 0 : i32
        %dma_wait3A_34 = arith.constant 0 : i32
        %dma_wait3A_35 = tpu.memref_slice %arg10[%dma_wait3A_33, %dma_wait3A_34] : memref<10000x128xf32, #tpu.memory_space<vmem_shared>> -> memref<10000x128xf32, #tpu.memory_space<vmem_shared>>
        tpu.wait_indirect_dma semaphore(%run_scoped3A : memref<!tpu.dma_semaphore, #tpu.memory_space<semaphore_mem>>) src(%arg9 : memref<80x128xf32, #tpu.memory_space<vmem>>) dst(%dma_wait3A_35 : memref<10000x128xf32, #tpu.memory_space<vmem_shared>>)
        tpu.yield
      }) : () -> ()
    }
    %scan3A_9 = arith.constant 125 : i32
    %barrier3A_10 = arith.constant 0 : index
    tpu.barrier barrier_id(%barrier3A_10)
    %mul3A_11 = arith.constant 624 : i32
    %mul3A_12 = arith.muli %arg1, %mul3A_11 : i32
    %multiple_of3A_13 = tpu.assume_multiple %mul3A_12, 8 : i32
    "tpu.region"() ({
      %run_scoped3A = tpu.sem_alloc : memref<!tpu.dma_semaphore, #tpu.memory_space<semaphore_mem>>
      %dma_start3A = arith.constant 0 : i32
      %dma_start3A_19 = tpu.memref_slice %arg6[%arg0, %multiple_of3A_13, %dma_start3A] : memref<2x10000x128xf32, #tpu.memory_space<hbm>> -> memref<1x624x128xf32, #tpu.memory_space<hbm>>
      %dma_start3A_20 = tpu.memref_squeeze %dma_start3A_19 : memref<1x624x128xf32, #tpu.memory_space<hbm>> -> memref<624x128xf32, #tpu.memory_space<hbm>>
      %dma_start3A_21 = arith.constant 0 : i32
      %dma_start3A_22 = tpu.memref_slice %arg10[%multiple_of3A_13, %dma_start3A_21] : memref<10000x128xf32, #tpu.memory_space<vmem_shared>> -> memref<624x128xf32, #tpu.memory_space<vmem_shared>>
      tpu.enqueue_dma source(%dma_start3A_22 : memref<624x128xf32, #tpu.memory_space<vmem_shared>>) target(%dma_start3A_20 : memref<624x128xf32, #tpu.memory_space<hbm>>) target_semaphore(%run_scoped3A : memref<!tpu.dma_semaphore, #tpu.memory_space<semaphore_mem>>)
      %dma_wait3A = arith.constant 0 : i32
      %dma_wait3A_23 = tpu.memref_slice %arg6[%arg0, %multiple_of3A_13, %dma_wait3A] : memref<2x10000x128xf32, #tpu.memory_space<hbm>> -> memref<1x624x128xf32, #tpu.memory_space<hbm>>
      %dma_wait3A_24 = tpu.memref_squeeze %dma_wait3A_23 : memref<1x624x128xf32, #tpu.memory_space<hbm>> -> memref<624x128xf32, #tpu.memory_space<hbm>>
      %dma_wait3A_25 = arith.constant 0 : i32
      %dma_wait3A_26 = tpu.memref_slice %arg10[%multiple_of3A_13, %dma_wait3A_25] : memref<10000x128xf32, #tpu.memory_space<vmem_shared>> -> memref<624x128xf32, #tpu.memory_space<vmem_shared>>
      tpu.wait_dma2 semaphore(%run_scoped3A : memref<!tpu.dma_semaphore, #tpu.memory_space<semaphore_mem>>) src(%dma_wait3A_26 : memref<624x128xf32, #tpu.memory_space<vmem_shared>>) dst(%dma_wait3A_24 : memref<624x128xf32, #tpu.memory_space<hbm>>)
      tpu.yield
    }) : () -> ()
    %eq3A_14 = arith.constant 0 : i32
    %eq3A_15 = arith.cmpi eq, %arg1, %eq3A_14 : i32
    %convert_element_type3A_16 = arith.extui %eq3A_15 : i1 to i32
    %cond3A_17 = arith.constant 0 : i32
    %cond3A_18 = arith.cmpi ne, %convert_element_type3A_16, %cond3A_17 : i32
    scf.if %cond3A_18 {
      "tpu.region"() ({
        %run_scoped3A = tpu.sem_alloc : memref<!tpu.dma_semaphore, #tpu.memory_space<semaphore_mem>>
        %dma_start3A = arith.constant 9984 : i32
        %dma_start3A_19 = arith.constant 0 : i32
        %dma_start3A_20 = tpu.memref_slice %arg6[%arg0, %dma_start3A, %dma_start3A_19] : memref<2x10000x128xf32, #tpu.memory_space<hbm>> -> memref<1x16x128xf32, #tpu.memory_space<hbm>>
        %dma_start3A_21 = tpu.memref_squeeze %dma_start3A_20 : memref<1x16x128xf32, #tpu.memory_space<hbm>> -> memref<16x128xf32, #tpu.memory_space<hbm>>
        %dma_start3A_22 = arith.constant 9984 : i32
        %dma_start3A_23 = arith.constant 0 : i32
        %dma_start3A_24 = tpu.memref_slice %arg10[%dma_start3A_22, %dma_start3A_23] : memref<10000x128xf32, #tpu.memory_space<vmem_shared>> -> memref<16x128xf32, #tpu.memory_space<vmem_shared>>
        tpu.enqueue_dma source(%dma_start3A_24 : memref<16x128xf32, #tpu.memory_space<vmem_shared>>) target(%dma_start3A_21 : memref<16x128xf32, #tpu.memory_space<hbm>>) target_semaphore(%run_scoped3A : memref<!tpu.dma_semaphore, #tpu.memory_space<semaphore_mem>>)
        %dma_wait3A = arith.constant 9984 : i32
        %dma_wait3A_25 = arith.constant 0 : i32
        %dma_wait3A_26 = tpu.memref_slice %arg6[%arg0, %dma_wait3A, %dma_wait3A_25] : memref<2x10000x128xf32, #tpu.memory_space<hbm>> -> memref<1x16x128xf32, #tpu.memory_space<hbm>>
        %dma_wait3A_27 = tpu.memref_squeeze %dma_wait3A_26 : memref<1x16x128xf32, #tpu.memory_space<hbm>> -> memref<16x128xf32, #tpu.memory_space<hbm>>
        %dma_wait3A_28 = arith.constant 9984 : i32
        %dma_wait3A_29 = arith.constant 0 : i32
        %dma_wait3A_30 = tpu.memref_slice %arg10[%dma_wait3A_28, %dma_wait3A_29] : memref<10000x128xf32, #tpu.memory_space<vmem_shared>> -> memref<16x128xf32, #tpu.memory_space<vmem_shared>>
        tpu.wait_dma2 semaphore(%run_scoped3A : memref<!tpu.dma_semaphore, #tpu.memory_space<semaphore_mem>>) src(%dma_wait3A_30 : memref<16x128xf32, #tpu.memory_space<vmem_shared>>) dst(%dma_wait3A_27 : memref<16x128xf32, #tpu.memory_space<hbm>>)
        tpu.yield
      }) : () -> ()
    } else {
    }
    return
  }
}

#map = affine_map<(d0, d1) -> (0, 0)>
#map1 = affine_map<(d0, d1) -> (0)>
#map2 = affine_map<(d0, d1) -> (0, 0, 0)>
module attributes {stable_mosaic.version = 14 : i64} {
  func.func @_seg_sum_body(%arg0: i32, %arg1: i32, %arg2: memref<320000x128xf32, #tpu.memory_space<hbm>>, %arg3: memref<320000xi32, #tpu.memory_space<hbm>>, %arg4: memref<10000x128xf32, #tpu.memory_space<hbm>>, %arg5: memref<2x10000x128xf32, #tpu.memory_space<hbm>>, %arg6: memref<80xi32, #tpu.memory_space<vmem>>, %arg7: memref<80x128xf32, #tpu.memory_space<vmem>>, %arg8: memref<10000x128xf32, #tpu.memory_space<vmem_shared>>, %arg9: memref<!tpu.dma_semaphore, #tpu.memory_space<semaphore_mem>>) attributes {dimension_semantics = [#tpu.dimension_semantics<core_parallel>, #tpu.dimension_semantics<subcore_parallel>], iteration_bounds = array<i64: 2, 16>, scalar_prefetch = 0 : i64, scratch_operands = 4 : i64, tpu.core_type = #tpu.core_type<sc_vector_subcore>, window_params = [{transform_indices = #map}, {transform_indices = #map1}, {transform_indices = #map}, {transform_indices = #map2}]} {
    %mul3A = arith.constant 16 : i32
    %mul3A_0 = arith.muli %arg0, %mul3A : i32
    %add3A = arith.addi %mul3A_0, %arg1 : i32
    %mul3A_1 = arith.constant 624 : i32
    %mul3A_2 = arith.muli %arg1, %mul3A_1 : i32
    %multiple_of3A = tpu.assume_multiple %mul3A_2, 8 : i32
    "tpu.region"() ({
      %run_scoped3A = tpu.sem_alloc : memref<!tpu.dma_semaphore, #tpu.memory_space<semaphore_mem>>
      %dma_start3A = arith.constant 0 : i32
      %dma_start3A_19 = tpu.memref_slice %arg8[%multiple_of3A, %dma_start3A] : memref<10000x128xf32, #tpu.memory_space<vmem_shared>> -> memref<624x128xf32, #tpu.memory_space<vmem_shared>>
      %dma_start3A_20 = arith.constant 0 : i32
      %dma_start3A_21 = tpu.memref_slice %arg4[%multiple_of3A, %dma_start3A_20] : memref<10000x128xf32, #tpu.memory_space<hbm>> -> memref<624x128xf32, #tpu.memory_space<hbm>>
      tpu.enqueue_dma source(%dma_start3A_21 : memref<624x128xf32, #tpu.memory_space<hbm>>) target(%dma_start3A_19 : memref<624x128xf32, #tpu.memory_space<vmem_shared>>) target_semaphore(%run_scoped3A : memref<!tpu.dma_semaphore, #tpu.memory_space<semaphore_mem>>)
      %dma_wait3A = arith.constant 0 : i32
      %dma_wait3A_22 = tpu.memref_slice %arg8[%multiple_of3A, %dma_wait3A] : memref<10000x128xf32, #tpu.memory_space<vmem_shared>> -> memref<624x128xf32, #tpu.memory_space<vmem_shared>>
      %dma_wait3A_23 = arith.constant 0 : i32
      %dma_wait3A_24 = tpu.memref_slice %arg4[%multiple_of3A, %dma_wait3A_23] : memref<10000x128xf32, #tpu.memory_space<hbm>> -> memref<624x128xf32, #tpu.memory_space<hbm>>
      tpu.wait_dma2 semaphore(%run_scoped3A : memref<!tpu.dma_semaphore, #tpu.memory_space<semaphore_mem>>) src(%dma_wait3A_24 : memref<624x128xf32, #tpu.memory_space<hbm>>) dst(%dma_wait3A_22 : memref<624x128xf32, #tpu.memory_space<vmem_shared>>)
      tpu.yield
    }) : () -> ()
    %eq3A = arith.constant 0 : i32
    %eq3A_3 = arith.cmpi eq, %arg1, %eq3A : i32
    %convert_element_type3A = arith.extui %eq3A_3 : i1 to i32
    %cond3A = arith.constant 0 : i32
    %cond3A_4 = arith.cmpi ne, %convert_element_type3A, %cond3A : i32
    scf.if %cond3A_4 {
      "tpu.region"() ({
        %run_scoped3A = tpu.sem_alloc : memref<!tpu.dma_semaphore, #tpu.memory_space<semaphore_mem>>
        %dma_start3A = arith.constant 9984 : i32
        %dma_start3A_19 = arith.constant 0 : i32
        %dma_start3A_20 = tpu.memref_slice %arg8[%dma_start3A, %dma_start3A_19] : memref<10000x128xf32, #tpu.memory_space<vmem_shared>> -> memref<16x128xf32, #tpu.memory_space<vmem_shared>>
        %dma_start3A_21 = arith.constant 9984 : i32
        %dma_start3A_22 = arith.constant 0 : i32
        %dma_start3A_23 = tpu.memref_slice %arg4[%dma_start3A_21, %dma_start3A_22] : memref<10000x128xf32, #tpu.memory_space<hbm>> -> memref<16x128xf32, #tpu.memory_space<hbm>>
        tpu.enqueue_dma source(%dma_start3A_23 : memref<16x128xf32, #tpu.memory_space<hbm>>) target(%dma_start3A_20 : memref<16x128xf32, #tpu.memory_space<vmem_shared>>) target_semaphore(%run_scoped3A : memref<!tpu.dma_semaphore, #tpu.memory_space<semaphore_mem>>)
        %dma_wait3A = arith.constant 9984 : i32
        %dma_wait3A_24 = arith.constant 0 : i32
        %dma_wait3A_25 = tpu.memref_slice %arg8[%dma_wait3A, %dma_wait3A_24] : memref<10000x128xf32, #tpu.memory_space<vmem_shared>> -> memref<16x128xf32, #tpu.memory_space<vmem_shared>>
        %dma_wait3A_26 = arith.constant 9984 : i32
        %dma_wait3A_27 = arith.constant 0 : i32
        %dma_wait3A_28 = tpu.memref_slice %arg4[%dma_wait3A_26, %dma_wait3A_27] : memref<10000x128xf32, #tpu.memory_space<hbm>> -> memref<16x128xf32, #tpu.memory_space<hbm>>
        tpu.wait_dma2 semaphore(%run_scoped3A : memref<!tpu.dma_semaphore, #tpu.memory_space<semaphore_mem>>) src(%dma_wait3A_28 : memref<16x128xf32, #tpu.memory_space<hbm>>) dst(%dma_wait3A_25 : memref<16x128xf32, #tpu.memory_space<vmem_shared>>)
        tpu.yield
      }) : () -> ()
    } else {
    }
    %barrier3A = arith.constant 0 : index
    tpu.barrier barrier_id(%barrier3A)
    %scan3A = arith.constant 0 : i32
    %scan3A_5 = arith.constant 0 : i32
    %scan3A_6 = arith.constant 125 : i32
    %scan3A_7 = arith.addi %scan3A_5, %scan3A_6 : i32
    %scan3A_8 = arith.constant 1 : i32
    scf.for %scan3A_19 = %scan3A_5 to %scan3A_7 step %scan3A_8  : i32 {
      %mul3A_20 = arith.constant 10000 : i32
      %mul3A_21 = arith.muli %add3A, %mul3A_20 : i32
      %mul3A_22 = arith.constant 80 : i32
      %mul3A_23 = arith.muli %scan3A_19, %mul3A_22 : i32
      %add3A_24 = arith.addi %mul3A_21, %mul3A_23 : i32
      %multiple_of3A_25 = tpu.assume_multiple %add3A_24, 8 : i32
      "tpu.region"() ({
        %run_scoped3A = tpu.sem_alloc : memref<!tpu.dma_semaphore, #tpu.memory_space<semaphore_mem>>
        %dma_start3A_32 = tpu.memref_slice %arg3[%multiple_of3A_25] : memref<320000xi32, #tpu.memory_space<hbm>> -> memref<80xi32, #tpu.memory_space<hbm>>
        %dma_start3A_33 = tpu.memref_slice %arg3[%multiple_of3A_25] : memref<320000xi32, #tpu.memory_space<hbm>> -> memref<80xi32, #tpu.memory_space<hbm>>
        tpu.enqueue_dma source(%dma_start3A_33 : memref<80xi32, #tpu.memory_space<hbm>>) target(%arg6 : memref<80xi32, #tpu.memory_space<vmem>>) target_semaphore(%run_scoped3A : memref<!tpu.dma_semaphore, #tpu.memory_space<semaphore_mem>>)
        %dma_wait3A_34 = tpu.memref_slice %arg3[%multiple_of3A_25] : memref<320000xi32, #tpu.memory_space<hbm>> -> memref<80xi32, #tpu.memory_space<hbm>>
        %dma_wait3A_35 = tpu.memref_slice %arg3[%multiple_of3A_25] : memref<320000xi32, #tpu.memory_space<hbm>> -> memref<80xi32, #tpu.memory_space<hbm>>
        tpu.wait_dma2 semaphore(%run_scoped3A : memref<!tpu.dma_semaphore, #tpu.memory_space<semaphore_mem>>) src(%dma_wait3A_35 : memref<80xi32, #tpu.memory_space<hbm>>) dst(%arg6 : memref<80xi32, #tpu.memory_space<vmem>>)
        tpu.yield
      }) : () -> ()
      %dma_start3A = arith.constant 0 : i32
      %dma_start3A_26 = tpu.memref_slice %arg2[%multiple_of3A_25, %dma_start3A] : memref<320000x128xf32, #tpu.memory_space<hbm>> -> memref<80x128xf32, #tpu.memory_space<hbm>>
      %dma_start3A_27 = arith.constant 0 : i32
      %dma_start3A_28 = tpu.memref_slice %arg2[%multiple_of3A_25, %dma_start3A_27] : memref<320000x128xf32, #tpu.memory_space<hbm>> -> memref<80x128xf32, #tpu.memory_space<hbm>>
      tpu.enqueue_dma source(%dma_start3A_28 : memref<80x128xf32, #tpu.memory_space<hbm>>) target(%arg7 : memref<80x128xf32, #tpu.memory_space<vmem>>) target_semaphore(%arg9 : memref<!tpu.dma_semaphore, #tpu.memory_space<semaphore_mem>>)
      %dma_wait3A = arith.constant 0 : i32
      %dma_wait3A_29 = tpu.memref_slice %arg2[%multiple_of3A_25, %dma_wait3A] : memref<320000x128xf32, #tpu.memory_space<hbm>> -> memref<80x128xf32, #tpu.memory_space<hbm>>
      %dma_wait3A_30 = arith.constant 0 : i32
      %dma_wait3A_31 = tpu.memref_slice %arg2[%multiple_of3A_25, %dma_wait3A_30] : memref<320000x128xf32, #tpu.memory_space<hbm>> -> memref<80x128xf32, #tpu.memory_space<hbm>>
      tpu.wait_dma2 semaphore(%arg9 : memref<!tpu.dma_semaphore, #tpu.memory_space<semaphore_mem>>) src(%dma_wait3A_31 : memref<80x128xf32, #tpu.memory_space<hbm>>) dst(%arg7 : memref<80x128xf32, #tpu.memory_space<vmem>>)
      "tpu.region"() ({
        %run_scoped3A = tpu.sem_alloc : memref<!tpu.dma_semaphore, #tpu.memory_space<semaphore_mem>>
        %dma_start3A_32 = arith.constant 0 : i32
        %dma_start3A_33 = arith.constant 0 : i32
        %dma_start3A_34 = tpu.memref_slice %arg8[%dma_start3A_32, %dma_start3A_33] : memref<10000x128xf32, #tpu.memory_space<vmem_shared>> -> memref<10000x128xf32, #tpu.memory_space<vmem_shared>>
        tpu.enqueue_indirect_dma source(%arg7 : memref<80x128xf32, #tpu.memory_space<vmem>>) target(%dma_start3A_34 : memref<10000x128xf32, #tpu.memory_space<vmem_shared>>) offsets(%arg6 : memref<80xi32, #tpu.memory_space<vmem>>) semaphore(%run_scoped3A : memref<!tpu.dma_semaphore, #tpu.memory_space<semaphore_mem>>) {add = true}
        %dma_wait3A_35 = arith.constant 0 : i32
        %dma_wait3A_36 = arith.constant 0 : i32
        %dma_wait3A_37 = tpu.memref_slice %arg8[%dma_wait3A_35, %dma_wait3A_36] : memref<10000x128xf32, #tpu.memory_space<vmem_shared>> -> memref<10000x128xf32, #tpu.memory_space<vmem_shared>>
        tpu.wait_indirect_dma semaphore(%run_scoped3A : memref<!tpu.dma_semaphore, #tpu.memory_space<semaphore_mem>>) src(%arg7 : memref<80x128xf32, #tpu.memory_space<vmem>>) dst(%dma_wait3A_37 : memref<10000x128xf32, #tpu.memory_space<vmem_shared>>)
        tpu.yield
      }) : () -> ()
    }
    %scan3A_9 = arith.constant 125 : i32
    %barrier3A_10 = arith.constant 0 : index
    tpu.barrier barrier_id(%barrier3A_10)
    %mul3A_11 = arith.constant 624 : i32
    %mul3A_12 = arith.muli %arg1, %mul3A_11 : i32
    %multiple_of3A_13 = tpu.assume_multiple %mul3A_12, 8 : i32
    "tpu.region"() ({
      %run_scoped3A = tpu.sem_alloc : memref<!tpu.dma_semaphore, #tpu.memory_space<semaphore_mem>>
      %dma_start3A = arith.constant 0 : i32
      %dma_start3A_19 = tpu.memref_slice %arg5[%arg0, %multiple_of3A_13, %dma_start3A] : memref<2x10000x128xf32, #tpu.memory_space<hbm>> -> memref<1x624x128xf32, #tpu.memory_space<hbm>>
      %dma_start3A_20 = tpu.memref_squeeze %dma_start3A_19 : memref<1x624x128xf32, #tpu.memory_space<hbm>> -> memref<624x128xf32, #tpu.memory_space<hbm>>
      %dma_start3A_21 = arith.constant 0 : i32
      %dma_start3A_22 = tpu.memref_slice %arg8[%multiple_of3A_13, %dma_start3A_21] : memref<10000x128xf32, #tpu.memory_space<vmem_shared>> -> memref<624x128xf32, #tpu.memory_space<vmem_shared>>
      tpu.enqueue_dma source(%dma_start3A_22 : memref<624x128xf32, #tpu.memory_space<vmem_shared>>) target(%dma_start3A_20 : memref<624x128xf32, #tpu.memory_space<hbm>>) target_semaphore(%run_scoped3A : memref<!tpu.dma_semaphore, #tpu.memory_space<semaphore_mem>>)
      %dma_wait3A = arith.constant 0 : i32
      %dma_wait3A_23 = tpu.memref_slice %arg5[%arg0, %multiple_of3A_13, %dma_wait3A] : memref<2x10000x128xf32, #tpu.memory_space<hbm>> -> memref<1x624x128xf32, #tpu.memory_space<hbm>>
      %dma_wait3A_24 = tpu.memref_squeeze %dma_wait3A_23 : memref<1x624x128xf32, #tpu.memory_space<hbm>> -> memref<624x128xf32, #tpu.memory_space<hbm>>
      %dma_wait3A_25 = arith.constant 0 : i32
      %dma_wait3A_26 = tpu.memref_slice %arg8[%multiple_of3A_13, %dma_wait3A_25] : memref<10000x128xf32, #tpu.memory_space<vmem_shared>> -> memref<624x128xf32, #tpu.memory_space<vmem_shared>>
      tpu.wait_dma2 semaphore(%run_scoped3A : memref<!tpu.dma_semaphore, #tpu.memory_space<semaphore_mem>>) src(%dma_wait3A_26 : memref<624x128xf32, #tpu.memory_space<vmem_shared>>) dst(%dma_wait3A_24 : memref<624x128xf32, #tpu.memory_space<hbm>>)
      tpu.yield
    }) : () -> ()
    %eq3A_14 = arith.constant 0 : i32
    %eq3A_15 = arith.cmpi eq, %arg1, %eq3A_14 : i32
    %convert_element_type3A_16 = arith.extui %eq3A_15 : i1 to i32
    %cond3A_17 = arith.constant 0 : i32
    %cond3A_18 = arith.cmpi ne, %convert_element_type3A_16, %cond3A_17 : i32
    scf.if %cond3A_18 {
      "tpu.region"() ({
        %run_scoped3A = tpu.sem_alloc : memref<!tpu.dma_semaphore, #tpu.memory_space<semaphore_mem>>
        %dma_start3A = arith.constant 9984 : i32
        %dma_start3A_19 = arith.constant 0 : i32
        %dma_start3A_20 = tpu.memref_slice %arg5[%arg0, %dma_start3A, %dma_start3A_19] : memref<2x10000x128xf32, #tpu.memory_space<hbm>> -> memref<1x16x128xf32, #tpu.memory_space<hbm>>
        %dma_start3A_21 = tpu.memref_squeeze %dma_start3A_20 : memref<1x16x128xf32, #tpu.memory_space<hbm>> -> memref<16x128xf32, #tpu.memory_space<hbm>>
        %dma_start3A_22 = arith.constant 9984 : i32
        %dma_start3A_23 = arith.constant 0 : i32
        %dma_start3A_24 = tpu.memref_slice %arg8[%dma_start3A_22, %dma_start3A_23] : memref<10000x128xf32, #tpu.memory_space<vmem_shared>> -> memref<16x128xf32, #tpu.memory_space<vmem_shared>>
        tpu.enqueue_dma source(%dma_start3A_24 : memref<16x128xf32, #tpu.memory_space<vmem_shared>>) target(%dma_start3A_21 : memref<16x128xf32, #tpu.memory_space<hbm>>) target_semaphore(%run_scoped3A : memref<!tpu.dma_semaphore, #tpu.memory_space<semaphore_mem>>)
        %dma_wait3A = arith.constant 9984 : i32
        %dma_wait3A_25 = arith.constant 0 : i32
        %dma_wait3A_26 = tpu.memref_slice %arg5[%arg0, %dma_wait3A, %dma_wait3A_25] : memref<2x10000x128xf32, #tpu.memory_space<hbm>> -> memref<1x16x128xf32, #tpu.memory_space<hbm>>
        %dma_wait3A_27 = tpu.memref_squeeze %dma_wait3A_26 : memref<1x16x128xf32, #tpu.memory_space<hbm>> -> memref<16x128xf32, #tpu.memory_space<hbm>>
        %dma_wait3A_28 = arith.constant 9984 : i32
        %dma_wait3A_29 = arith.constant 0 : i32
        %dma_wait3A_30 = tpu.memref_slice %arg8[%dma_wait3A_28, %dma_wait3A_29] : memref<10000x128xf32, #tpu.memory_space<vmem_shared>> -> memref<16x128xf32, #tpu.memory_space<vmem_shared>>
        tpu.wait_dma2 semaphore(%run_scoped3A : memref<!tpu.dma_semaphore, #tpu.memory_space<semaphore_mem>>) src(%dma_wait3A_30 : memref<16x128xf32, #tpu.memory_space<vmem_shared>>) dst(%dma_wait3A_27 : memref<16x128xf32, #tpu.memory_space<hbm>>)
        tpu.yield
      }) : () -> ()
    } else {
    }
    return
  }
}

module attributes {stable_mosaic.version = 14 : i64} {
  func.func @_xa_body(%arg0: i32, %arg1: memref<1x1x1000xi32, #tpu.memory_space<vmem>>, %arg2: memref<800x128xf32, #tpu.memory_space<vmem>>, %arg3: memref<128x128xf32, #tpu.memory_space<vmem>>, %arg4: memref<1x128xf32, #tpu.memory_space<vmem>>, %arg5: memref<1000x128xf32, #tpu.memory_space<vmem>>, %arg6: memref<1000x128xf32, #tpu.memory_space<vmem>>) attributes {dimension_semantics = [#tpu.dimension_semantics<arbitrary>], iteration_bounds = array<i64: 10>, scalar_prefetch = 0 : i64, scratch_operands = 0 : i64, tpu.core_type = #tpu.core_type<tc>, window_params = [{transform_indices = @transform_0, window_bounds = array<i64: 1, 1, 1000>}, {pipeline_mode = #tpu.pipeline_mode<synchronous>, transform_indices = @transform_1, window_bounds = array<i64: 800, 128>}, {pipeline_mode = #tpu.pipeline_mode<synchronous>, transform_indices = @transform_2, window_bounds = array<i64: 128, 128>}, {pipeline_mode = #tpu.pipeline_mode<synchronous>, transform_indices = @transform_3, window_bounds = array<i64: 1, 128>}, {transform_indices = @transform_4, window_bounds = array<i64: 1000, 128>}, {transform_indices = @transform_5, window_bounds = array<i64: 1000, 128>}]} {
    %get3A = arith.constant 0 : index
    %get3A_0 = arith.constant 0 : index
    %get3A_1 = arith.constant 0 : index
    %get3A_2 = vector.load %arg1[%get3A, %get3A_0, %get3A_1] : memref<1x1x1000xi32, #tpu.memory_space<vmem>>, vector<1x1x1000xi32>
    %get3A_3 = vector.shape_cast %get3A_2 : vector<1x1x1000xi32> to vector<1000xi32>
    %iota3A = tpu.iota {dimensions = array<i32: 1>} : vector<1000x800xi32>
    %broadcast_in_dim3A = vector.shape_cast %get3A_3 : vector<1000xi32> to vector<1000x1xi32>
    %eq3A = vector.broadcast %broadcast_in_dim3A : vector<1000x1xi32> to vector<1000x800xi32>
    %eq3A_4 = arith.cmpi eq, %iota3A, %eq3A : vector<1000x800xi32>
    %convert_element_type3A = arith.extui %eq3A_4 : vector<1000x800xi1> to vector<1000x800xi32>
    %convert_element_type3A_5 = arith.sitofp %convert_element_type3A : vector<1000x800xi32> to vector<1000x800xf32>
    %get3A_6 = arith.constant 0 : index
    %get3A_7 = arith.constant 0 : index
    %get3A_8 = vector.load %arg2[%get3A_6, %get3A_7] : memref<800x128xf32, #tpu.memory_space<vmem>>, vector<800x128xf32>
    %dot_general3A = arith.constant dense<0.000000e+00> : vector<1000x128xf32>
    %dot_general3A_9 = tpu.matmul %convert_element_type3A_5, %get3A_8, %dot_general3A {dimension_numbers = #tpu.dot_dimension_numbers<[1], [0], [0], [1], [0, 0, 1, 1], [], []>, precision = #tpu.contract_precision<fp32>, transpose_lhs_hint = false} : vector<1000x800xf32>, vector<800x128xf32>, vector<1000x128xf32> -> vector<1000x128xf32>
    %swap3A = arith.constant 0 : index
    %swap3A_10 = arith.constant 0 : index
    %swap3A_11 = vector.load %arg5[%swap3A, %swap3A_10] : memref<1000x128xf32, #tpu.memory_space<vmem>>, vector<1000x128xf32>
    tpu.vector_store %arg5[%swap3A, %swap3A_10], %dot_general3A_9 {strides = array<i32>} : memref<1000x128xf32, #tpu.memory_space<vmem>>, vector<1000x128xf32>,
    %get3A_12 = arith.constant 0 : index
    %get3A_13 = arith.constant 0 : index
    %get3A_14 = vector.load %arg3[%get3A_12, %get3A_13] : memref<128x128xf32, #tpu.memory_space<vmem>>, vector<128x128xf32>
    %dot_general3A_15 = arith.constant dense<0.000000e+00> : vector<1000x128xf32>
    %dot_general3A_16 = tpu.matmul %dot_general3A_9, %get3A_14, %dot_general3A_15 {dimension_numbers = #tpu.dot_dimension_numbers<[1], [0], [0], [1], [0, 0, 1, 1], [], []>, precision = #tpu.contract_precision<fp32>, transpose_lhs_hint = false} : vector<1000x128xf32>, vector<128x128xf32>, vector<1000x128xf32> -> vector<1000x128xf32>
    %get3A_17 = arith.constant 0 : index
    %get3A_18 = arith.constant 0 : index
    %get3A_19 = vector.load %arg4[%get3A_17, %get3A_18] : memref<1x128xf32, #tpu.memory_space<vmem>>, vector<1x128xf32>
    %add3A = vector.broadcast %get3A_19 : vector<1x128xf32> to vector<1000x128xf32>
    %add3A_20 = arith.addf %dot_general3A_16, %add3A : vector<1000x128xf32>
    %swap3A_21 = arith.constant 0 : index
    %swap3A_22 = arith.constant 0 : index
    %swap3A_23 = vector.load %arg6[%swap3A_21, %swap3A_22] : memref<1000x128xf32, #tpu.memory_space<vmem>>, vector<1000x128xf32>
    tpu.vector_store %arg6[%swap3A_21, %swap3A_22], %add3A_20 {strides = array<i32>} : memref<1000x128xf32, #tpu.memory_space<vmem>>, vector<1000x128xf32>,
    return
  }
  func.func @transform_0(%arg0: i32) -> (i32, i32, i32) {
    %c0_i32 = arith.constant 0 : i32
    %c0_i32_0 = arith.constant 0 : i32
    %c0_i32_1 = arith.constant 0 : i32
    return %arg0, %c0_i32, %c0_i32_0 : i32, i32, i32
  }
  func.func @transform_1(%arg0: i32) -> (i32, i32) {
    %c0_i32 = arith.constant 0 : i32
    %c0_i32_0 = arith.constant 0 : i32
    %c0_i32_1 = arith.constant 0 : i32
    return %c0_i32, %c0_i32_0 : i32, i32
  }
  func.func @transform_2(%arg0: i32) -> (i32, i32) {
    %c0_i32 = arith.constant 0 : i32
    %c0_i32_0 = arith.constant 0 : i32
    %c0_i32_1 = arith.constant 0 : i32
    return %c0_i32, %c0_i32_0 : i32, i32
  }
  func.func @transform_3(%arg0: i32) -> (i32, i32) {
    %c0_i32 = arith.constant 0 : i32
    %c0_i32_0 = arith.constant 0 : i32
    %c0_i32_1 = arith.constant 0 : i32
    return %c0_i32, %c0_i32_0 : i32, i32
  }
  func.func @transform_4(%arg0: i32) -> (i32, i32) {
    %c0_i32 = arith.constant 0 : i32
    %c0_i32_0 = arith.constant 0 : i32
    return %arg0, %c0_i32 : i32, i32
  }
  func.func @transform_5(%arg0: i32) -> (i32, i32) {
    %c0_i32 = arith.constant 0 : i32
    %c0_i32_0 = arith.constant 0 : i32
    return %arg0, %c0_i32 : i32, i32
  }
}

module attributes {stable_mosaic.version = 14 : i64} {
  func.func @_rm_body(%arg0: i32, %arg1: memref<2000x128xf32, #tpu.memory_space<vmem>>, %arg2: memref<2000x128xf32, #tpu.memory_space<vmem>>, %arg3: memref<128x128xf32, #tpu.memory_space<vmem>>, %arg4: memref<2000x128xf32, #tpu.memory_space<vmem>>) attributes {dimension_semantics = [#tpu.dimension_semantics<arbitrary>], iteration_bounds = array<i64: 160>, scalar_prefetch = 0 : i64, scratch_operands = 0 : i64, tpu.core_type = #tpu.core_type<tc>, window_params = [{transform_indices = @transform_0, window_bounds = array<i64: 2000, 128>}, {transform_indices = @transform_1, window_bounds = array<i64: 2000, 128>}, {pipeline_mode = #tpu.pipeline_mode<synchronous>, transform_indices = @transform_2, window_bounds = array<i64: 128, 128>}, {transform_indices = @transform_3, window_bounds = array<i64: 2000, 128>}]} {
    %get3A = arith.constant 0 : index
    %get3A_0 = arith.constant 0 : index
    %get3A_1 = vector.load %arg1[%get3A, %get3A_0] : memref<2000x128xf32, #tpu.memory_space<vmem>>, vector<2000x128xf32>
    %get3A_2 = arith.constant 0 : index
    %get3A_3 = arith.constant 0 : index
    %get3A_4 = vector.load %arg3[%get3A_2, %get3A_3] : memref<128x128xf32, #tpu.memory_space<vmem>>, vector<128x128xf32>
    %dot_general3A = arith.constant dense<0.000000e+00> : vector<2000x128xf32>
    %dot_general3A_5 = tpu.matmul %get3A_1, %get3A_4, %dot_general3A {dimension_numbers = #tpu.dot_dimension_numbers<[1], [0], [0], [1], [0, 0, 1, 1], [], []>, precision = #tpu.contract_precision<fp32>, transpose_lhs_hint = false} : vector<2000x128xf32>, vector<128x128xf32>, vector<2000x128xf32> -> vector<2000x128xf32>
    %get3A_6 = arith.constant 0 : index
    %get3A_7 = arith.constant 0 : index
    %get3A_8 = vector.load %arg2[%get3A_6, %get3A_7] : memref<2000x128xf32, #tpu.memory_space<vmem>>, vector<2000x128xf32>
    %add3A = arith.addf %get3A_8, %dot_general3A_5 : vector<2000x128xf32>
    %neg3A = arith.constant 0.000000e+00 : f32
    %neg3A_9 = vector.broadcast %neg3A : f32 to vector<2000x128xf32>
    %neg3A_10 = arith.subf %neg3A_9, %add3A : vector<2000x128xf32>
    %exp3A = math.exp %neg3A_10 : vector<2000x128xf32>
    %add3A_11 = arith.constant 1.000000e+00 : f32
    %add3A_12 = vector.broadcast %add3A_11 : f32 to vector<2000x128xf32>
    %add3A_13 = arith.addf %add3A_12, %exp3A : vector<2000x128xf32>
    %div3A = arith.constant 1.000000e+00 : f32
    %div3A_14 = vector.broadcast %div3A : f32 to vector<2000x128xf32>
    %div3A_15 = arith.divf %div3A_14, %add3A_13 : vector<2000x128xf32>
    %mul3A = arith.mulf %div3A_15, %get3A_1 : vector<2000x128xf32>
    %swap3A = arith.constant 0 : index
    %swap3A_16 = arith.constant 0 : index
    %swap3A_17 = vector.load %arg4[%swap3A, %swap3A_16] : memref<2000x128xf32, #tpu.memory_space<vmem>>, vector<2000x128xf32>
    tpu.vector_store %arg4[%swap3A, %swap3A_16], %mul3A {strides = array<i32>} : memref<2000x128xf32, #tpu.memory_space<vmem>>, vector<2000x128xf32>,
    return
  }
  func.func @transform_0(%arg0: i32) -> (i32, i32) {
    %c0_i32 = arith.constant 0 : i32
    %c0_i32_0 = arith.constant 0 : i32
    return %arg0, %c0_i32 : i32, i32
  }
  func.func @transform_1(%arg0: i32) -> (i32, i32) {
    %c0_i32 = arith.constant 0 : i32
    %c0_i32_0 = arith.constant 0 : i32
    return %arg0, %c0_i32 : i32, i32
  }
  func.func @transform_2(%arg0: i32) -> (i32, i32) {
    %c0_i32 = arith.constant 0 : i32
    %c0_i32_0 = arith.constant 0 : i32
    %c0_i32_1 = arith.constant 0 : i32
    return %c0_i32, %c0_i32_0 : i32, i32
  }
  func.func @transform_3(%arg0: i32) -> (i32, i32) {
    %c0_i32 = arith.constant 0 : i32
    %c0_i32_0 = arith.constant 0 : i32
    return %arg0, %c0_i32 : i32, i32
  }
}

module attributes {stable_mosaic.version = 14 : i64} {
  func.func @_mn_body(%arg0: i32, %arg1: memref<1000x128xf32, #tpu.memory_space<vmem>>, %arg2: memref<2x1000x128xf32, #tpu.memory_space<vmem>>, %arg3: memref<2x1000x128xf32, #tpu.memory_space<vmem>>, %arg4: memref<256x128xf32, #tpu.memory_space<vmem>>, %arg5: memref<1x128xf32, #tpu.memory_space<vmem>>, %arg6: memref<256x128xf32, #tpu.memory_space<vmem>>, %arg7: memref<1x128xf32, #tpu.memory_space<vmem>>, %arg8: memref<1000x128xf32, #tpu.memory_space<vmem>>) attributes {dimension_semantics = [#tpu.dimension_semantics<arbitrary>], iteration_bounds = array<i64: 10>, scalar_prefetch = 0 : i64, scratch_operands = 0 : i64, tpu.core_type = #tpu.core_type<tc>, window_params = [{transform_indices = @transform_0, window_bounds = array<i64: 1000, 128>}, {transform_indices = @transform_1, window_bounds = array<i64: 2, 1000, 128>}, {transform_indices = @transform_2, window_bounds = array<i64: 2, 1000, 128>}, {pipeline_mode = #tpu.pipeline_mode<synchronous>, transform_indices = @transform_3, window_bounds = array<i64: 256, 128>}, {pipeline_mode = #tpu.pipeline_mode<synchronous>, transform_indices = @transform_4, window_bounds = array<i64: 1, 128>}, {pipeline_mode = #tpu.pipeline_mode<synchronous>, transform_indices = @transform_5, window_bounds = array<i64: 256, 128>}, {pipeline_mode = #tpu.pipeline_mode<synchronous>, transform_indices = @transform_6, window_bounds = array<i64: 1, 128>}, {transform_indices = @transform_7, window_bounds = array<i64: 1000, 128>}]} {
    %get3A = arith.constant 0 : index
    %get3A_0 = arith.constant 0 : index
    %get3A_1 = arith.constant 0 : index
    %get3A_2 = vector.load %arg2[%get3A, %get3A_0, %get3A_1] : memref<2x1000x128xf32, #tpu.memory_space<vmem>>, vector<1x1000x128xf32>
    %get3A_3 = vector.shape_cast %get3A_2 : vector<1x1000x128xf32> to vector<1000x128xf32>
    %get3A_4 = arith.constant 1 : index
    %get3A_5 = arith.constant 0 : index
    %get3A_6 = arith.constant 0 : index
    %get3A_7 = vector.load %arg2[%get3A_4, %get3A_5, %get3A_6] : memref<2x1000x128xf32, #tpu.memory_space<vmem>>, vector<1x1000x128xf32>
    %get3A_8 = vector.shape_cast %get3A_7 : vector<1x1000x128xf32> to vector<1000x128xf32>
    %add3A = arith.addf %get3A_3, %get3A_8 : vector<1000x128xf32>
    %get3A_9 = arith.constant 0 : index
    %get3A_10 = arith.constant 0 : index
    %get3A_11 = arith.constant 0 : index
    %get3A_12 = vector.load %arg3[%get3A_9, %get3A_10, %get3A_11] : memref<2x1000x128xf32, #tpu.memory_space<vmem>>, vector<1x1000x128xf32>
    %get3A_13 = vector.shape_cast %get3A_12 : vector<1x1000x128xf32> to vector<1000x128xf32>
    %get3A_14 = arith.constant 1 : index
    %get3A_15 = arith.constant 0 : index
    %get3A_16 = arith.constant 0 : index
    %get3A_17 = vector.load %arg3[%get3A_14, %get3A_15, %get3A_16] : memref<2x1000x128xf32, #tpu.memory_space<vmem>>, vector<1x1000x128xf32>
    %get3A_18 = vector.shape_cast %get3A_17 : vector<1x1000x128xf32> to vector<1000x128xf32>
    %add3A_19 = arith.addf %get3A_13, %get3A_18 : vector<1000x128xf32>
    %get3A_20 = arith.constant 0 : index
    %get3A_21 = arith.constant 0 : index
    %get3A_22 = vector.load %arg1[%get3A_20, %get3A_21] : memref<1000x128xf32, #tpu.memory_space<vmem>>, vector<1000x128xf32>
    %get3A_23 = arith.constant 0 : index
    %get3A_24 = arith.constant 0 : index
    %get3A_25 = vector.load %arg4[%get3A_23, %get3A_24] : memref<256x128xf32, #tpu.memory_space<vmem>>, vector<256x128xf32>
    %get3A_26 = arith.constant 0 : index
    %get3A_27 = arith.constant 0 : index
    %get3A_28 = vector.load %arg6[%get3A_26, %get3A_27] : memref<256x128xf32, #tpu.memory_space<vmem>>, vector<256x128xf32>
    %slice3A = vector.extract_strided_slice %get3A_25 {offsets = [0, 0], sizes = [128, 128], strides = [1, 1]} : vector<256x128xf32> to vector<128x128xf32>
    %dot_general3A = arith.constant dense<0.000000e+00> : vector<1000x128xf32>
    %dot_general3A_29 = tpu.matmul %get3A_22, %slice3A, %dot_general3A {dimension_numbers = #tpu.dot_dimension_numbers<[1], [0], [0], [1], [0, 0, 1, 1], [], []>, precision = #tpu.contract_precision<fp32>, transpose_lhs_hint = false} : vector<1000x128xf32>, vector<128x128xf32>, vector<1000x128xf32> -> vector<1000x128xf32>
    %slice3A_30 = vector.extract_strided_slice %get3A_25 {offsets = [128, 0], sizes = [128, 128], strides = [1, 1]} : vector<256x128xf32> to vector<128x128xf32>
    %dot_general3A_31 = arith.constant dense<0.000000e+00> : vector<1000x128xf32>
    %dot_general3A_32 = tpu.matmul %add3A, %slice3A_30, %dot_general3A_31 {dimension_numbers = #tpu.dot_dimension_numbers<[1], [0], [0], [1], [0, 0, 1, 1], [], []>, precision = #tpu.contract_precision<fp32>, transpose_lhs_hint = false} : vector<1000x128xf32>, vector<128x128xf32>, vector<1000x128xf32> -> vector<1000x128xf32>
    %add3A_33 = arith.addf %dot_general3A_29, %dot_general3A_32 : vector<1000x128xf32>
    %get3A_34 = arith.constant 0 : index
    %get3A_35 = arith.constant 0 : index
    %get3A_36 = vector.load %arg5[%get3A_34, %get3A_35] : memref<1x128xf32, #tpu.memory_space<vmem>>, vector<1x128xf32>
    %add3A_37 = vector.broadcast %get3A_36 : vector<1x128xf32> to vector<1000x128xf32>
    %add3A_38 = arith.addf %add3A_33, %add3A_37 : vector<1000x128xf32>
    %neg3A = arith.constant 0.000000e+00 : f32
    %neg3A_39 = vector.broadcast %neg3A : f32 to vector<1000x128xf32>
    %neg3A_40 = arith.subf %neg3A_39, %add3A_38 : vector<1000x128xf32>
    %exp3A = math.exp %neg3A_40 : vector<1000x128xf32>
    %add3A_41 = arith.constant 1.000000e+00 : f32
    %add3A_42 = vector.broadcast %add3A_41 : f32 to vector<1000x128xf32>
    %add3A_43 = arith.addf %add3A_42, %exp3A : vector<1000x128xf32>
    %div3A = arith.constant 1.000000e+00 : f32
    %div3A_44 = vector.broadcast %div3A : f32 to vector<1000x128xf32>
    %div3A_45 = arith.divf %div3A_44, %add3A_43 : vector<1000x128xf32>
    %slice3A_46 = vector.extract_strided_slice %get3A_28 {offsets = [0, 0], sizes = [128, 128], strides = [1, 1]} : vector<256x128xf32> to vector<128x128xf32>
    %dot_general3A_47 = arith.constant dense<0.000000e+00> : vector<1000x128xf32>
    %dot_general3A_48 = tpu.matmul %get3A_22, %slice3A_46, %dot_general3A_47 {dimension_numbers = #tpu.dot_dimension_numbers<[1], [0], [0], [1], [0, 0, 1, 1], [], []>, precision = #tpu.contract_precision<fp32>, transpose_lhs_hint = false} : vector<1000x128xf32>, vector<128x128xf32>, vector<1000x128xf32> -> vector<1000x128xf32>
    %slice3A_49 = vector.extract_strided_slice %get3A_28 {offsets = [128, 0], sizes = [128, 128], strides = [1, 1]} : vector<256x128xf32> to vector<128x128xf32>
    %dot_general3A_50 = arith.constant dense<0.000000e+00> : vector<1000x128xf32>
    %dot_general3A_51 = tpu.matmul %add3A_19, %slice3A_49, %dot_general3A_50 {dimension_numbers = #tpu.dot_dimension_numbers<[1], [0], [0], [1], [0, 0, 1, 1], [], []>, precision = #tpu.contract_precision<fp32>, transpose_lhs_hint = false} : vector<1000x128xf32>, vector<128x128xf32>, vector<1000x128xf32> -> vector<1000x128xf32>
    %add3A_52 = arith.addf %dot_general3A_48, %dot_general3A_51 : vector<1000x128xf32>
    %get3A_53 = arith.constant 0 : index
    %get3A_54 = arith.constant 0 : index
    %get3A_55 = vector.load %arg7[%get3A_53, %get3A_54] : memref<1x128xf32, #tpu.memory_space<vmem>>, vector<1x128xf32>
    %add3A_56 = vector.broadcast %get3A_55 : vector<1x128xf32> to vector<1000x128xf32>
    %add3A_57 = arith.addf %add3A_52, %add3A_56 : vector<1000x128xf32>
    %tanh3A = math.tanh %add3A_57 : vector<1000x128xf32>
    %sub3A = arith.constant 1.000000e+00 : f32
    %sub3A_58 = vector.broadcast %sub3A : f32 to vector<1000x128xf32>
    %sub3A_59 = arith.subf %sub3A_58, %div3A_45 : vector<1000x128xf32>
    %mul3A = arith.mulf %sub3A_59, %add3A : vector<1000x128xf32>
    %mul3A_60 = arith.mulf %div3A_45, %tanh3A : vector<1000x128xf32>
    %add3A_61 = arith.addf %mul3A, %mul3A_60 : vector<1000x128xf32>
    %swap3A = arith.constant 0 : index
    %swap3A_62 = arith.constant 0 : index
    %swap3A_63 = vector.load %arg8[%swap3A, %swap3A_62] : memref<1000x128xf32, #tpu.memory_space<vmem>>, vector<1000x128xf32>
    tpu.vector_store %arg8[%swap3A, %swap3A_62], %add3A_61 {strides = array<i32>} : memref<1000x128xf32, #tpu.memory_space<vmem>>, vector<1000x128xf32>,
    return
  }
  func.func @transform_0(%arg0: i32) -> (i32, i32) {
    %c0_i32 = arith.constant 0 : i32
    %c0_i32_0 = arith.constant 0 : i32
    return %arg0, %c0_i32 : i32, i32
  }
  func.func @transform_1(%arg0: i32) -> (i32, i32, i32) {
    %c0_i32 = arith.constant 0 : i32
    %c0_i32_0 = arith.constant 0 : i32
    %c0_i32_1 = arith.constant 0 : i32
    return %c0_i32, %arg0, %c0_i32_0 : i32, i32, i32
  }
  func.func @transform_2(%arg0: i32) -> (i32, i32, i32) {
    %c0_i32 = arith.constant 0 : i32
    %c0_i32_0 = arith.constant 0 : i32
    %c0_i32_1 = arith.constant 0 : i32
    return %c0_i32, %arg0, %c0_i32_0 : i32, i32, i32
  }
  func.func @transform_3(%arg0: i32) -> (i32, i32) {
    %c0_i32 = arith.constant 0 : i32
    %c0_i32_0 = arith.constant 0 : i32
    %c0_i32_1 = arith.constant 0 : i32
    return %c0_i32, %c0_i32_0 : i32, i32
  }
  func.func @transform_4(%arg0: i32) -> (i32, i32) {
    %c0_i32 = arith.constant 0 : i32
    %c0_i32_0 = arith.constant 0 : i32
    %c0_i32_1 = arith.constant 0 : i32
    return %c0_i32, %c0_i32_0 : i32, i32
  }
  func.func @transform_5(%arg0: i32) -> (i32, i32) {
    %c0_i32 = arith.constant 0 : i32
    %c0_i32_0 = arith.constant 0 : i32
    %c0_i32_1 = arith.constant 0 : i32
    return %c0_i32, %c0_i32_0 : i32, i32
  }
  func.func @transform_6(%arg0: i32) -> (i32, i32) {
    %c0_i32 = arith.constant 0 : i32
    %c0_i32_0 = arith.constant 0 : i32
    %c0_i32_1 = arith.constant 0 : i32
    return %c0_i32, %c0_i32_0 : i32, i32
  }
  func.func @transform_7(%arg0: i32) -> (i32, i32) {
    %c0_i32 = arith.constant 0 : i32
    %c0_i32_0 = arith.constant 0 : i32
    return %arg0, %c0_i32 : i32, i32
  }
}

module attributes {stable_mosaic.version = 14 : i64} {
  func.func @_loss_body(%arg0: i32, %arg1: memref<1000x128xf32, #tpu.memory_space<vmem>>, %arg2: memref<2x1000x128xf32, #tpu.memory_space<vmem>>, %arg3: memref<1000x64xf32, #tpu.memory_space<vmem>>, %arg4: memref<1x1x1000xi32, #tpu.memory_space<vmem>>, %arg5: memref<1x1x1000xi32, #tpu.memory_space<vmem>>, %arg6: memref<192x128xf32, #tpu.memory_space<vmem>>, %arg7: memref<1x128xf32, #tpu.memory_space<vmem>>, %arg8: memref<128x800xf32, #tpu.memory_space<vmem>>, %arg9: memref<1x800xf32, #tpu.memory_space<vmem>>, %arg10: memref<320x128xf32, #tpu.memory_space<vmem>>, %arg11: memref<1x128xf32, #tpu.memory_space<vmem>>, %arg12: memref<1x128xf32, #tpu.memory_space<vmem>>, %arg13: memref<1x1xf32, #tpu.memory_space<vmem>>, %arg14: memref<1x128xf32, #tpu.memory_space<vmem>>) attributes {dimension_semantics = [#tpu.dimension_semantics<arbitrary>], iteration_bounds = array<i64: 10>, scalar_prefetch = 0 : i64, scratch_operands = 0 : i64, tpu.core_type = #tpu.core_type<tc>, window_params = [{transform_indices = @transform_0, window_bounds = array<i64: 1000, 128>}, {transform_indices = @transform_1, window_bounds = array<i64: 2, 1000, 128>}, {transform_indices = @transform_2, window_bounds = array<i64: 1000, 64>}, {transform_indices = @transform_3, window_bounds = array<i64: 1, 1, 1000>}, {transform_indices = @transform_4, window_bounds = array<i64: 1, 1, 1000>}, {pipeline_mode = #tpu.pipeline_mode<synchronous>, transform_indices = @transform_5, window_bounds = array<i64: 192, 128>}, {pipeline_mode = #tpu.pipeline_mode<synchronous>, transform_indices = @transform_6, window_bounds = array<i64: 1, 128>}, {pipeline_mode = #tpu.pipeline_mode<synchronous>, transform_indices = @transform_7, window_bounds = array<i64: 128, 800>}, {pipeline_mode = #tpu.pipeline_mode<synchronous>, transform_indices = @transform_8, window_bounds = array<i64: 1, 800>}, {pipeline_mode = #tpu.pipeline_mode<synchronous>, transform_indices = @transform_9, window_bounds = array<i64: 320, 128>}, {pipeline_mode = #tpu.pipeline_mode<synchronous>, transform_indices = @transform_10, window_bounds = array<i64: 1, 128>}, {pipeline_mode = #tpu.pipeline_mode<synchronous>, transform_indices = @transform_11, window_bounds = array<i64: 1, 128>}, {pipeline_mode = #tpu.pipeline_mode<synchronous>, transform_indices = @transform_12, window_bounds = array<i64: 1, 1>}, {pipeline_mode = #tpu.pipeline_mode<synchronous>, transform_indices = @transform_13, window_bounds = array<i64: 1, 128>}]} {
    %get3A = arith.constant 0 : index
    %get3A_0 = arith.constant 0 : index
    %get3A_1 = arith.constant 0 : index
    %get3A_2 = vector.load %arg2[%get3A, %get3A_0, %get3A_1] : memref<2x1000x128xf32, #tpu.memory_space<vmem>>, vector<1x1000x128xf32>
    %get3A_3 = vector.shape_cast %get3A_2 : vector<1x1000x128xf32> to vector<1000x128xf32>
    %get3A_4 = arith.constant 1 : index
    %get3A_5 = arith.constant 0 : index
    %get3A_6 = arith.constant 0 : index
    %get3A_7 = vector.load %arg2[%get3A_4, %get3A_5, %get3A_6] : memref<2x1000x128xf32, #tpu.memory_space<vmem>>, vector<1x1000x128xf32>
    %get3A_8 = vector.shape_cast %get3A_7 : vector<1x1000x128xf32> to vector<1000x128xf32>
    %add3A = arith.addf %get3A_3, %get3A_8 : vector<1000x128xf32>
    %get3A_9 = arith.constant 0 : index
    %get3A_10 = arith.constant 0 : index
    %get3A_11 = vector.load %arg1[%get3A_9, %get3A_10] : memref<1000x128xf32, #tpu.memory_space<vmem>>, vector<1000x128xf32>
    %get3A_12 = arith.constant 0 : index
    %get3A_13 = arith.constant 0 : index
    %get3A_14 = vector.load %arg3[%get3A_12, %get3A_13] : memref<1000x64xf32, #tpu.memory_space<vmem>>, vector<1000x64xf32>
    %get3A_15 = arith.constant 0 : index
    %get3A_16 = arith.constant 0 : index
    %get3A_17 = vector.load %arg6[%get3A_15, %get3A_16] : memref<192x128xf32, #tpu.memory_space<vmem>>, vector<192x128xf32>
    %get3A_18 = arith.constant 0 : index
    %get3A_19 = arith.constant 0 : index
    %get3A_20 = vector.load %arg10[%get3A_18, %get3A_19] : memref<320x128xf32, #tpu.memory_space<vmem>>, vector<320x128xf32>
    %slice3A = vector.extract_strided_slice %get3A_17 {offsets = [0, 0], sizes = [128, 128], strides = [1, 1]} : vector<192x128xf32> to vector<128x128xf32>
    %dot_general3A = arith.constant dense<0.000000e+00> : vector<1000x128xf32>
    %dot_general3A_21 = tpu.matmul %add3A, %slice3A, %dot_general3A {dimension_numbers = #tpu.dot_dimension_numbers<[1], [0], [0], [1], [0, 0, 1, 1], [], []>, precision = #tpu.contract_precision<fp32>, transpose_lhs_hint = false} : vector<1000x128xf32>, vector<128x128xf32>, vector<1000x128xf32> -> vector<1000x128xf32>
    %slice3A_22 = vector.extract_strided_slice %get3A_17 {offsets = [128, 0], sizes = [64, 128], strides = [1, 1]} : vector<192x128xf32> to vector<64x128xf32>
    %dot_general3A_23 = arith.constant dense<0.000000e+00> : vector<1000x128xf32>
    %dot_general3A_24 = tpu.matmul %get3A_14, %slice3A_22, %dot_general3A_23 {dimension_numbers = #tpu.dot_dimension_numbers<[1], [0], [0], [1], [0, 0, 1, 1], [], []>, precision = #tpu.contract_precision<fp32>, transpose_lhs_hint = false} : vector<1000x64xf32>, vector<64x128xf32>, vector<1000x128xf32> -> vector<1000x128xf32>
    %add3A_25 = arith.addf %dot_general3A_21, %dot_general3A_24 : vector<1000x128xf32>
    %get3A_26 = arith.constant 0 : index
    %get3A_27 = arith.constant 0 : index
    %get3A_28 = vector.load %arg7[%get3A_26, %get3A_27] : memref<1x128xf32, #tpu.memory_space<vmem>>, vector<1x128xf32>
    %add3A_29 = vector.broadcast %get3A_28 : vector<1x128xf32> to vector<1000x128xf32>
    %add3A_30 = arith.addf %add3A_25, %add3A_29 : vector<1000x128xf32>
    %max3A = arith.constant 0.000000e+00 : f32
    %max3A_31 = vector.broadcast %max3A : f32 to vector<1000x128xf32>
    %max3A_32 = arith.maximumf %add3A_30, %max3A_31 : vector<1000x128xf32>
    %get3A_33 = arith.constant 0 : index
    %get3A_34 = arith.constant 0 : index
    %get3A_35 = vector.load %arg8[%get3A_33, %get3A_34] : memref<128x800xf32, #tpu.memory_space<vmem>>, vector<128x800xf32>
    %dot_general3A_36 = arith.constant dense<0.000000e+00> : vector<1000x800xf32>
    %dot_general3A_37 = tpu.matmul %max3A_32, %get3A_35, %dot_general3A_36 {dimension_numbers = #tpu.dot_dimension_numbers<[1], [0], [0], [1], [0, 0, 1, 1], [], []>, precision = #tpu.contract_precision<fp32>, transpose_lhs_hint = false} : vector<1000x128xf32>, vector<128x800xf32>, vector<1000x800xf32> -> vector<1000x800xf32>
    %get3A_38 = arith.constant 0 : index
    %get3A_39 = arith.constant 0 : index
    %get3A_40 = vector.load %arg9[%get3A_38, %get3A_39] : memref<1x800xf32, #tpu.memory_space<vmem>>, vector<1x800xf32>
    %add3A_41 = vector.broadcast %get3A_40 : vector<1x800xf32> to vector<1000x800xf32>
    %add3A_42 = arith.addf %dot_general3A_37, %add3A_41 : vector<1000x800xf32>
    %reduce_max3A = arith.constant dense<0xFF800000> : vector<1000xf32>
    %reduce_max3A_43 = vector.multi_reduction <maximumf>, %add3A_42, %reduce_max3A [1] : vector<1000x800xf32> to vector<1000xf32>
    %broadcast_in_dim3A = vector.shape_cast %reduce_max3A_43 : vector<1000xf32> to vector<1000x1xf32>
    %squeeze3A = vector.shape_cast %broadcast_in_dim3A : vector<1000x1xf32> to vector<1000xf32>
    %sub3A = vector.broadcast %broadcast_in_dim3A : vector<1000x1xf32> to vector<1000x800xf32>
    %sub3A_44 = arith.subf %add3A_42, %sub3A : vector<1000x800xf32>
    %exp3A = math.exp %sub3A_44 : vector<1000x800xf32>
    %reduce_sum3A = arith.constant dense<0.000000e+00> : vector<1000xf32>
    %reduce_sum3A_45 = vector.multi_reduction <add>, %exp3A, %reduce_sum3A [1] : vector<1000x800xf32> to vector<1000xf32>
    %log3A = math.log %reduce_sum3A_45 : vector<1000xf32>
    %add3A_46 = arith.addf %squeeze3A, %log3A : vector<1000xf32>
    %get3A_47 = arith.constant 0 : index
    %get3A_48 = arith.constant 0 : index
    %get3A_49 = arith.constant 0 : index
    %get3A_50 = vector.load %arg4[%get3A_47, %get3A_48, %get3A_49] : memref<1x1x1000xi32, #tpu.memory_space<vmem>>, vector<1x1x1000xi32>
    %get3A_51 = vector.shape_cast %get3A_50 : vector<1x1x1000xi32> to vector<1000xi32>
    %iota3A = tpu.iota {dimensions = array<i32: 1>} : vector<1000x800xi32>
    %broadcast_in_dim3A_52 = vector.shape_cast %get3A_51 : vector<1000xi32> to vector<1000x1xi32>
    %eq3A = vector.broadcast %broadcast_in_dim3A_52 : vector<1000x1xi32> to vector<1000x800xi32>
    %eq3A_53 = arith.cmpi eq, %iota3A, %eq3A : vector<1000x800xi32>
    %jit3A = arith.constant 0.000000e+00 : f32
    %broadcast_in_dim3A_54 = vector.broadcast %jit3A : f32 to vector<1000x800xf32>
    %select_n3A = arith.select %eq3A_53, %add3A_42, %broadcast_in_dim3A_54 : vector<1000x800xi1>, vector<1000x800xf32>
    %reduce_sum3A_55 = arith.constant dense<0.000000e+00> : vector<1000xf32>
    %reduce_sum3A_56 = vector.multi_reduction <add>, %select_n3A, %reduce_sum3A_55 [1] : vector<1000x800xf32> to vector<1000xf32>
    %sub3A_57 = arith.subf %add3A_46, %reduce_sum3A_56 : vector<1000xf32>
    %reduce_sum3A_58 = vector.shape_cast %sub3A_57 : vector<1000xf32> to vector<1x1000xf32>
    %reduce_sum3A_59 = arith.constant dense<0.000000e+00> : vector<1xf32>
    %reduce_sum3A_60 = vector.multi_reduction <add>, %reduce_sum3A_58, %reduce_sum3A_59 [1] : vector<1x1000xf32> to vector<1xf32>
    %reduce_sum3A_61 = vector.shape_cast %reduce_sum3A_60 : vector<1xf32> to vector<1x1xf32>
    %reduce_sum3A_62 = vector.extract %reduce_sum3A_61[0, 0] : f32 from vector<1x1xf32>
    %eq3A_63 = vector.broadcast %broadcast_in_dim3A : vector<1000x1xf32> to vector<1000x800xf32>
    %eq3A_64 = arith.cmpf oeq, %add3A_42, %eq3A_63 : vector<1000x800xf32>
    %jit3A_65 = arith.constant 800 : i32
    %broadcast_in_dim3A_66 = vector.broadcast %jit3A_65 : i32 to vector<1000x800xi32>
    %select_n3A_67 = arith.select %eq3A_64, %iota3A, %broadcast_in_dim3A_66 : vector<1000x800xi1>, vector<1000x800xi32>
    %reduce_min3A = arith.constant dense<2147483647> : vector<1000xi32>
    %reduce_min3A_68 = vector.multi_reduction <minsi>, %select_n3A_67, %reduce_min3A [1] : vector<1000x800xi32> to vector<1000xi32>
    %eq3A_69 = arith.cmpi eq, %reduce_min3A_68, %get3A_51 : vector<1000xi32>
    %convert_element_type3A = arith.extui %eq3A_69 : vector<1000xi1> to vector<1000xi32>
    %convert_element_type3A_70 = arith.sitofp %convert_element_type3A : vector<1000xi32> to vector<1000xf32>
    %reduce_sum3A_71 = vector.shape_cast %convert_element_type3A_70 : vector<1000xf32> to vector<1x1000xf32>
    %reduce_sum3A_72 = arith.constant dense<0.000000e+00> : vector<1xf32>
    %reduce_sum3A_73 = vector.multi_reduction <add>, %reduce_sum3A_71, %reduce_sum3A_72 [1] : vector<1x1000xf32> to vector<1xf32>
    %reduce_sum3A_74 = vector.shape_cast %reduce_sum3A_73 : vector<1xf32> to vector<1x1xf32>
    %reduce_sum3A_75 = vector.extract %reduce_sum3A_74[0, 0] : f32 from vector<1x1xf32>
    %slice3A_76 = vector.extract_strided_slice %get3A_20 {offsets = [0, 0], sizes = [128, 128], strides = [1, 1]} : vector<320x128xf32> to vector<128x128xf32>
    %dot_general3A_77 = arith.constant dense<0.000000e+00> : vector<1000x128xf32>
    %dot_general3A_78 = tpu.matmul %get3A_11, %slice3A_76, %dot_general3A_77 {dimension_numbers = #tpu.dot_dimension_numbers<[1], [0], [0], [1], [0, 0, 1, 1], [], []>, precision = #tpu.contract_precision<fp32>, transpose_lhs_hint = false} : vector<1000x128xf32>, vector<128x128xf32>, vector<1000x128xf32> -> vector<1000x128xf32>
    %slice3A_79 = vector.extract_strided_slice %get3A_20 {offsets = [128, 0], sizes = [128, 128], strides = [1, 1]} : vector<320x128xf32> to vector<128x128xf32>
    %dot_general3A_80 = arith.constant dense<0.000000e+00> : vector<1000x128xf32>
    %dot_general3A_81 = tpu.matmul %add3A, %slice3A_79, %dot_general3A_80 {dimension_numbers = #tpu.dot_dimension_numbers<[1], [0], [0], [1], [0, 0, 1, 1], [], []>, precision = #tpu.contract_precision<fp32>, transpose_lhs_hint = false} : vector<1000x128xf32>, vector<128x128xf32>, vector<1000x128xf32> -> vector<1000x128xf32>
    %add3A_82 = arith.addf %dot_general3A_78, %dot_general3A_81 : vector<1000x128xf32>
    %slice3A_83 = vector.extract_strided_slice %get3A_20 {offsets = [256, 0], sizes = [64, 128], strides = [1, 1]} : vector<320x128xf32> to vector<64x128xf32>
    %dot_general3A_84 = arith.constant dense<0.000000e+00> : vector<1000x128xf32>
    %dot_general3A_85 = tpu.matmul %get3A_14, %slice3A_83, %dot_general3A_84 {dimension_numbers = #tpu.dot_dimension_numbers<[1], [0], [0], [1], [0, 0, 1, 1], [], []>, precision = #tpu.contract_precision<fp32>, transpose_lhs_hint = false} : vector<1000x64xf32>, vector<64x128xf32>, vector<1000x128xf32> -> vector<1000x128xf32>
    %add3A_86 = arith.addf %add3A_82, %dot_general3A_85 : vector<1000x128xf32>
    %get3A_87 = arith.constant 0 : index
    %get3A_88 = arith.constant 0 : index
    %get3A_89 = vector.load %arg11[%get3A_87, %get3A_88] : memref<1x128xf32, #tpu.memory_space<vmem>>, vector<1x128xf32>
    %add3A_90 = vector.broadcast %get3A_89 : vector<1x128xf32> to vector<1000x128xf32>
    %add3A_91 = arith.addf %add3A_86, %add3A_90 : vector<1000x128xf32>
    %max3A_92 = arith.constant 0.000000e+00 : f32
    %max3A_93 = vector.broadcast %max3A_92 : f32 to vector<1000x128xf32>
    %max3A_94 = arith.maximumf %add3A_91, %max3A_93 : vector<1000x128xf32>
    %get3A_95 = arith.constant 0 : index
    %get3A_96 = arith.constant 0 : index
    %get3A_97 = vector.load %arg12[%get3A_95, %get3A_96] : memref<1x128xf32, #tpu.memory_space<vmem>>, vector<1x128xf32>
    %mul3A = vector.broadcast %get3A_97 : vector<1x128xf32> to vector<1000x128xf32>
    %mul3A_98 = arith.mulf %max3A_94, %mul3A : vector<1000x128xf32>
    %reduce_sum3A_99 = arith.constant dense<0.000000e+00> : vector<1000xf32>
    %reduce_sum3A_100 = vector.multi_reduction <add>, %mul3A_98, %reduce_sum3A_99 [1] : vector<1000x128xf32> to vector<1000xf32>
    %get3A_101 = arith.constant 0 : index
    %get3A_102 = arith.constant 0 : index
    %get3A_103 = vector.load %arg13[%get3A_101, %get3A_102] : memref<1x1xf32, #tpu.memory_space<vmem>>, vector<1x1xf32>
    %get3A_104 = vector.extract %get3A_103[0, 0] : f32 from vector<1x1xf32>
    %add3A_105 = vector.broadcast %get3A_104 : f32 to vector<1000xf32>
    %add3A_106 = arith.addf %reduce_sum3A_100, %add3A_105 : vector<1000xf32>
    %get3A_107 = arith.constant 0 : index
    %get3A_108 = arith.constant 0 : index
    %get3A_109 = arith.constant 0 : index
    %get3A_110 = vector.load %arg5[%get3A_107, %get3A_108, %get3A_109] : memref<1x1x1000xi32, #tpu.memory_space<vmem>>, vector<1x1x1000xi32>
    %get3A_111 = vector.shape_cast %get3A_110 : vector<1x1x1000xi32> to vector<1000xi32>
    %convert_element_type3A_112 = arith.sitofp %get3A_111 : vector<1000xi32> to vector<1000xf32>
    %max3A_113 = arith.constant 0.000000e+00 : f32
    %max3A_114 = vector.broadcast %max3A_113 : f32 to vector<1000xf32>
    %max3A_115 = arith.maximumf %add3A_106, %max3A_114 : vector<1000xf32>
    %mul3A_116 = arith.mulf %add3A_106, %convert_element_type3A_112 : vector<1000xf32>
    %sub3A_117 = arith.subf %max3A_115, %mul3A_116 : vector<1000xf32>
    %abs3A = math.absf %add3A_106 : vector<1000xf32>
    %neg3A = arith.constant 0.000000e+00 : f32
    %neg3A_118 = vector.broadcast %neg3A : f32 to vector<1000xf32>
    %neg3A_119 = arith.subf %neg3A_118, %abs3A : vector<1000xf32>
    %exp3A_120 = math.exp %neg3A_119 : vector<1000xf32>
    %add3A_121 = arith.constant 1.000000e+00 : f32
    %add3A_122 = vector.broadcast %add3A_121 : f32 to vector<1000xf32>
    %add3A_123 = arith.addf %add3A_122, %exp3A_120 : vector<1000xf32>
    %log3A_124 = math.log %add3A_123 : vector<1000xf32>
    %add3A_125 = arith.addf %sub3A_117, %log3A_124 : vector<1000xf32>
    %reduce_sum3A_126 = vector.shape_cast %add3A_125 : vector<1000xf32> to vector<1x1000xf32>
    %reduce_sum3A_127 = arith.constant dense<0.000000e+00> : vector<1xf32>
    %reduce_sum3A_128 = vector.multi_reduction <add>, %reduce_sum3A_126, %reduce_sum3A_127 [1] : vector<1x1000xf32> to vector<1xf32>
    %reduce_sum3A_129 = vector.shape_cast %reduce_sum3A_128 : vector<1xf32> to vector<1x1xf32>
    %reduce_sum3A_130 = vector.extract %reduce_sum3A_129[0, 0] : f32 from vector<1x1xf32>
    %gt3A = arith.constant 0.000000e+00 : f32
    %gt3A_131 = vector.broadcast %gt3A : f32 to vector<1000xf32>
    %gt3A_132 = arith.cmpf ogt, %add3A_106, %gt3A_131 : vector<1000xf32>
    %convert_element_type3A_133 = arith.extui %gt3A_132 : vector<1000xi1> to vector<1000xi32>
    %eq3A_134 = arith.cmpi eq, %convert_element_type3A_133, %get3A_111 : vector<1000xi32>
    %convert_element_type3A_135 = arith.extui %eq3A_134 : vector<1000xi1> to vector<1000xi32>
    %convert_element_type3A_136 = arith.sitofp %convert_element_type3A_135 : vector<1000xi32> to vector<1000xf32>
    %reduce_sum3A_137 = vector.shape_cast %convert_element_type3A_136 : vector<1000xf32> to vector<1x1000xf32>
    %reduce_sum3A_138 = arith.constant dense<0.000000e+00> : vector<1xf32>
    %reduce_sum3A_139 = vector.multi_reduction <add>, %reduce_sum3A_137, %reduce_sum3A_138 [1] : vector<1x1000xf32> to vector<1xf32>
    %reduce_sum3A_140 = vector.shape_cast %reduce_sum3A_139 : vector<1xf32> to vector<1x1xf32>
    %reduce_sum3A_141 = vector.extract %reduce_sum3A_140[0, 0] : f32 from vector<1x1xf32>
    %iota3A_142 = tpu.iota {dimensions = array<i32: 1>} : vector<1x128xi32>
    %eq3A_143 = arith.constant 0 : i32
    %eq3A_144 = vector.broadcast %eq3A_143 : i32 to vector<1x128xi32>
    %eq3A_145 = arith.cmpi eq, %iota3A_142, %eq3A_144 : vector<1x128xi32>
    %div3A = arith.constant 2.560000e+02 : f32
    %div3A_146 = arith.divf %reduce_sum3A_62, %div3A : f32
    %jit3A_147 = arith.constant 0.000000e+00 : f32
    %broadcast_in_dim3A_148 = vector.broadcast %div3A_146 : f32 to vector<1x128xf32>
    %broadcast_in_dim3A_149 = vector.broadcast %jit3A_147 : f32 to vector<1x128xf32>
    %select_n3A_150 = arith.select %eq3A_145, %broadcast_in_dim3A_148, %broadcast_in_dim3A_149 : vector<1x128xi1>, vector<1x128xf32>
    %eq3A_151 = arith.constant 1 : i32
    %eq3A_152 = vector.broadcast %eq3A_151 : i32 to vector<1x128xi32>
    %eq3A_153 = arith.cmpi eq, %iota3A_142, %eq3A_152 : vector<1x128xi32>
    %div3A_154 = arith.constant 2.560000e+02 : f32
    %div3A_155 = arith.divf %reduce_sum3A_130, %div3A_154 : f32
    %jit3A_156 = arith.constant 0.000000e+00 : f32
    %broadcast_in_dim3A_157 = vector.broadcast %div3A_155 : f32 to vector<1x128xf32>
    %broadcast_in_dim3A_158 = vector.broadcast %jit3A_156 : f32 to vector<1x128xf32>
    %select_n3A_159 = arith.select %eq3A_153, %broadcast_in_dim3A_157, %broadcast_in_dim3A_158 : vector<1x128xi1>, vector<1x128xf32>
    %add3A_160 = arith.addf %select_n3A_150, %select_n3A_159 : vector<1x128xf32>
    %eq3A_161 = arith.constant 2 : i32
    %eq3A_162 = vector.broadcast %eq3A_161 : i32 to vector<1x128xi32>
    %eq3A_163 = arith.cmpi eq, %iota3A_142, %eq3A_162 : vector<1x128xi32>
    %div3A_164 = arith.constant 1.000000e+04 : f32
    %div3A_165 = arith.divf %reduce_sum3A_75, %div3A_164 : f32
    %jit3A_166 = arith.constant 0.000000e+00 : f32
    %broadcast_in_dim3A_167 = vector.broadcast %div3A_165 : f32 to vector<1x128xf32>
    %broadcast_in_dim3A_168 = vector.broadcast %jit3A_166 : f32 to vector<1x128xf32>
    %select_n3A_169 = arith.select %eq3A_163, %broadcast_in_dim3A_167, %broadcast_in_dim3A_168 : vector<1x128xi1>, vector<1x128xf32>
    %add3A_170 = arith.addf %add3A_160, %select_n3A_169 : vector<1x128xf32>
    %eq3A_171 = arith.constant 3 : i32
    %eq3A_172 = vector.broadcast %eq3A_171 : i32 to vector<1x128xi32>
    %eq3A_173 = arith.cmpi eq, %iota3A_142, %eq3A_172 : vector<1x128xi32>
    %div3A_174 = arith.constant 1.000000e+04 : f32
    %div3A_175 = arith.divf %reduce_sum3A_141, %div3A_174 : f32
    %jit3A_176 = arith.constant 0.000000e+00 : f32
    %broadcast_in_dim3A_177 = vector.broadcast %div3A_175 : f32 to vector<1x128xf32>
    %broadcast_in_dim3A_178 = vector.broadcast %jit3A_176 : f32 to vector<1x128xf32>
    %select_n3A_179 = arith.select %eq3A_173, %broadcast_in_dim3A_177, %broadcast_in_dim3A_178 : vector<1x128xi1>, vector<1x128xf32>
    %add3A_180 = arith.addf %add3A_170, %select_n3A_179 : vector<1x128xf32>
    %eq3A_181 = arith.constant 0 : i32
    %eq3A_182 = arith.cmpi eq, %arg0, %eq3A_181 : i32
    %convert_element_type3A_183 = arith.extui %eq3A_182 : i1 to i32
    %cond3A = arith.constant 0 : i32
    %cond3A_184 = arith.cmpi ne, %convert_element_type3A_183, %cond3A : i32
    scf.if %cond3A_184 {
      %swap3A = arith.constant 0 : index
      %swap3A_190 = arith.constant 0 : index
      %swap3A_191 = vector.load %arg14[%swap3A, %swap3A_190] : memref<1x128xf32, #tpu.memory_space<vmem>>, vector<1x128xf32>
      tpu.vector_store %arg14[%swap3A, %swap3A_190], %add3A_180 {strides = array<i32>} : memref<1x128xf32, #tpu.memory_space<vmem>>, vector<1x128xf32>,
    } else {
    }
    %gt3A_185 = arith.constant 0 : i32
    %gt3A_186 = arith.cmpi sgt, %arg0, %gt3A_185 : i32
    %convert_element_type3A_187 = arith.extui %gt3A_186 : i1 to i32
    %cond3A_188 = arith.constant 0 : i32
    %cond3A_189 = arith.cmpi ne, %convert_element_type3A_187, %cond3A_188 : i32
    scf.if %cond3A_189 {
      %get3A_190 = arith.constant 0 : index
      %get3A_191 = arith.constant 0 : index
      %get3A_192 = vector.load %arg14[%get3A_190, %get3A_191] : memref<1x128xf32, #tpu.memory_space<vmem>>, vector<1x128xf32>
      %add3A_193 = arith.addf %get3A_192, %add3A_180 : vector<1x128xf32>
      %swap3A = arith.constant 0 : index
      %swap3A_194 = arith.constant 0 : index
      %swap3A_195 = vector.load %arg14[%swap3A, %swap3A_194] : memref<1x128xf32, #tpu.memory_space<vmem>>, vector<1x128xf32>
      tpu.vector_store %arg14[%swap3A, %swap3A_194], %add3A_193 {strides = array<i32>} : memref<1x128xf32, #tpu.memory_space<vmem>>, vector<1x128xf32>,
    } else {
    }
    return
  }
  func.func @transform_0(%arg0: i32) -> (i32, i32) {
    %c0_i32 = arith.constant 0 : i32
    %c0_i32_0 = arith.constant 0 : i32
    return %arg0, %c0_i32 : i32, i32
  }
  func.func @transform_1(%arg0: i32) -> (i32, i32, i32) {
    %c0_i32 = arith.constant 0 : i32
    %c0_i32_0 = arith.constant 0 : i32
    %c0_i32_1 = arith.constant 0 : i32
    return %c0_i32, %arg0, %c0_i32_0 : i32, i32, i32
  }
  func.func @transform_2(%arg0: i32) -> (i32, i32) {
    %c0_i32 = arith.constant 0 : i32
    %c0_i32_0 = arith.constant 0 : i32
    return %arg0, %c0_i32 : i32, i32
  }
  func.func @transform_3(%arg0: i32) -> (i32, i32, i32) {
    %c0_i32 = arith.constant 0 : i32
    %c0_i32_0 = arith.constant 0 : i32
    %c0_i32_1 = arith.constant 0 : i32
    return %arg0, %c0_i32, %c0_i32_0 : i32, i32, i32
  }
  func.func @transform_4(%arg0: i32) -> (i32, i32, i32) {
    %c0_i32 = arith.constant 0 : i32
    %c0_i32_0 = arith.constant 0 : i32
    %c0_i32_1 = arith.constant 0 : i32
    return %arg0, %c0_i32, %c0_i32_0 : i32, i32, i32
  }
  func.func @transform_5(%arg0: i32) -> (i32, i32) {
    %c0_i32 = arith.constant 0 : i32
    %c0_i32_0 = arith.constant 0 : i32
    %c0_i32_1 = arith.constant 0 : i32
    return %c0_i32, %c0_i32_0 : i32, i32
  }
  func.func @transform_6(%arg0: i32) -> (i32, i32) {
    %c0_i32 = arith.constant 0 : i32
    %c0_i32_0 = arith.constant 0 : i32
    %c0_i32_1 = arith.constant 0 : i32
    return %c0_i32, %c0_i32_0 : i32, i32
  }
  func.func @transform_7(%arg0: i32) -> (i32, i32) {
    %c0_i32 = arith.constant 0 : i32
    %c0_i32_0 = arith.constant 0 : i32
    %c0_i32_1 = arith.constant 0 : i32
    return %c0_i32, %c0_i32_0 : i32, i32
  }
  func.func @transform_8(%arg0: i32) -> (i32, i32) {
    %c0_i32 = arith.constant 0 : i32
    %c0_i32_0 = arith.constant 0 : i32
    %c0_i32_1 = arith.constant 0 : i32
    return %c0_i32, %c0_i32_0 : i32, i32
  }
  func.func @transform_9(%arg0: i32) -> (i32, i32) {
    %c0_i32 = arith.constant 0 : i32
    %c0_i32_0 = arith.constant 0 : i32
    %c0_i32_1 = arith.constant 0 : i32
    return %c0_i32, %c0_i32_0 : i32, i32
  }
  func.func @transform_10(%arg0: i32) -> (i32, i32) {
    %c0_i32 = arith.constant 0 : i32
    %c0_i32_0 = arith.constant 0 : i32
    %c0_i32_1 = arith.constant 0 : i32
    return %c0_i32, %c0_i32_0 : i32, i32
  }
  func.func @transform_11(%arg0: i32) -> (i32, i32) {
    %c0_i32 = arith.constant 0 : i32
    %c0_i32_0 = arith.constant 0 : i32
    %c0_i32_1 = arith.constant 0 : i32
    return %c0_i32, %c0_i32_0 : i32, i32
  }
  func.func @transform_12(%arg0: i32) -> (i32, i32) {
    %c0_i32 = arith.constant 0 : i32
    %c0_i32_0 = arith.constant 0 : i32
    %c0_i32_1 = arith.constant 0 : i32
    return %c0_i32, %c0_i32_0 : i32, i32
  }
  func.func @transform_13(%arg0: i32) -> (i32, i32) {
    %c0_i32 = arith.constant 0 : i32
    %c0_i32_0 = arith.constant 0 : i32
    %c0_i32_1 = arith.constant 0 : i32
    return %c0_i32, %c0_i32_0 : i32, i32
  }
}

</mosaic_0001>

<sc_bundles>
// kernel: kernel.10.cloned.1.call-start
scs
__scs_entry_jumppad:
0x0: {  	(pc) =	sbr.rel $0x88, $3  }
0x1: {  	(tag) =	ssettag $0x0;
	lr =	simm.s32 $0x1  }
0x2: {  	[smem:$0x3F8C] =	sst lr;
	_ =	strace $0xD0000000  }
0x3: {  	_ = 	snop  }
0x4: {  	_ = 	snop  }
0x5: {  	_ = 	snop  }
0x6: {  	_ = 	snop  }
0x7: {  	_ = 	snop  }
__scs_overlays_trampoline_lowered:
0x8: {  	[smem:$0x3F9B] =	sst s0  }
0x9: {  	[smem:$0x3F9C] =	sst s1  }
0xa: {  	[smem:$0x3F9D] =	sst s2  }
0xb: {  	[smem:$0x3F9E] =	sst s3  }
0xc: {  	[smem:$0x3F9F] =	sst s4  }
0xd: {  	[smem:$0x3FA0] =	sst s5  }
0xe: {  	[smem:$0x3FA1] =	sst s6  }
0xf: {  	[smem:$0x3FA2] =	sst s7  }
0x10: {  	[smem:$0x3FA3] =	sst s8  }
0x11: {  	[smem:$0x3FA4] =	sst s9;
	s0 =	simm.s32 @!p0 $0x0  }
0x12: {  	s1 =	sld [smem:$0x3F8A];
	s0 =	simm.s32 @p0 $0x1  }
0x13: {  	[smem:$0x3FA5] =	sst s0;
	s0 =	simm.s32 @!p1 $0x0  }
0x14: {  	s2 =	sld [smem:$0x3F89];
	s0 =	simm.s32 @p1 $0x1  }
0x15: {  	[smem:$0x3FA6] =	sst s0;
	s0 =	simm.s32 @!p2 $0x0  }
0x16: {  	s3 =	sld [smem:$0x3FDB];
	s0 =	simm.s32 @p2 $0x1  }
0x17: {  	s4 =	simm.s32 $0x1BF5;
	[smem:$0x3FA8] =	sst s0  }
0x18: {  	s0 =	sld [smem:$0x3F8B];
	_ =	swait.ge [sflag:s4], $0x0  }
0x19: {  	s7 =	sld [smem:$0x3F8C]  }
0x1a: {  	s8 =	sadd.s32 $0xFFFFE003, lr  }
0x1b: {  	s9 =	sadd.s32 $0xFFFFFEF7, lr;
	s5 =	simm.s32 $0xFFFFFFFF;
	p2 =	slt.u32 s8, $0xFFFFF086  }
0x1c: {  	p1 =	slt.u32 s9, $0xF7A;
	s5 =	simm.s32 @!p2 $0x0  }
0x1d: {  	s5 =	simm.s32 @p1 $0x1;
	p0 =	seq.s32 s7, s2  }
0x1e: {  	s7 =	smul.u32 @!p0 $0xF7A, s2;
	p2 =	seq.s32 @!p0 s5, $0x0  }
0x1f: {  	s9 =	smul.u32 $0xF7A, s1;
	s8 =	simm.s32 @!p0 $0x1BF5;
	p2 =	por !p2, p0  }
0x20: {  	[sflag:s8] =	ssyncset.s32 @!p0 $0xFFFFF086;
	s6 =	sadd.s32 @!p0 s3, s7;
	s7 =	simm.s32 @!p0 $0x108  }
0x21: {  	s3 =	sadd.s32 s3, s9;
	s6 =	sadd.s32 @!p0 $0x88, s6;
	s7 =	simm.s32 @p2 $0x1082  }
0x22: {  	[simem:s7], [sflag:s8] =	dma.local @!p0 [hbm:s6], $0xF7A  }
0x23: {  	s9 =	sor.u32 $0xD0000000, s2;
	s6 =	simm.s32 $0x108;
	_ =	swait.ge @!p0 [sflag:s8], $0x0  }
0x24: {  	s3 =	sadd.s32 $0x88, s3;
	s6 =	simm.s32 @!p1 $0x1082;
	[sflag:s4] =	ssyncset.s32 $0xFFFFF086  }
0x25: {  	[simem:s6], [sflag:s4] =	dma.local [hbm:s3], $0xF7A  }
0x26: {  	[smem:$0x3F8C] =	sst s1;
	(tag) =	ssettag s2;
	_ =	strace s9  }
0x27: {  	s1 =	sld [smem:$0x3F9C]  }
0x28: {  	s2 =	sld [smem:$0x3F9D]  }
0x29: {  	s4 =	sld [smem:$0x3F9F]  }
0x2a: {  	p0 =	seq.s32 s5, $0x0;
	s5 =	sld [smem:$0x3FA0]  }
0x2b: {  	s6 =	sld [smem:$0x3FA1]  }
0x2c: {  	s7 =	sld [smem:$0x3FA2]  }
0x2d: {  	s3 =	simm.s32 $0x108;
	s8 =	sld [smem:$0x3FA3]  }
0x2e: {  	s3 =	simm.s32 @!p0 $0x1082;
	s9 =	sld [smem:$0x3FA4]  }
0x2f: {  	lr =	sadd.s32 s0, s3;
	s0 =	sld [smem:$0x3F9B]  }
0x30: {  	s3 =	sld [smem:$0x3F9E]  }
0x31: {  	[smem:$0x3FA7] =	sst s10  }
0x32: {  	s10 =	sld [smem:$0x3FA5];
	_ =	sdelay $0x3  }
0x33: {  	p0 =	seq.s32 s10, $0x1;
	s10 =	sld [smem:$0x3FA7];
	_ =	sdelay $0x3  }
0x34: {  	[smem:$0x3FA7] =	sst s10  }
0x35: {  	s10 =	sld [smem:$0x3FA6];
	_ =	sdelay $0x3  }
0x36: {  	p1 =	seq.s32 s10, $0x1;
	s10 =	sld [smem:$0x3FA7];
	_ =	sdelay $0x3  }
0x37: {  	[smem:$0x3FA7] =	sst s10  }
0x38: {  	s10 =	sld [smem:$0x3FA8]  }
0x39: {  	_ = 	snop;
	(pc) =	sbr.ind lr, $3  }
0x3a: {  	_ = 	snop  }
0x3b: {  	_ = 	snop  }
0x3c: {  	p2 =	seq.s32 s10, $0x1;
	s10 =	sld [smem:$0x3FA7]  }
0x3d: {  	_ =	shalt  }
0x3e: {  	_ =	shalt  }
0x3f: {  	_ =	shalt  }
0x40: {  	_ =	shalt  }
0x41: {  	_ =	shalt  }
0x42: {  	_ =	shalt  }
0x43: {  	_ =	shalt  }
0x44: {  	_ =	shalt  }
0x45: {  	_ =	shalt  }
0x46: {  	_ =	shalt  }
0x47: {  	_ =	shalt  }
0x48: {  	_ =	shalt  }
0x49: {  	_ =	shalt  }
0x4a: {  	_ =	shalt  }
0x4b: {  	_ =	shalt  }
0x4c: {  	_ =	shalt  }
0x4d: {  	_ =	shalt  }
0x4e: {  	_ =	shalt  }
0x4f: {  	_ =	shalt  }
0x50: {  	_ =	shalt  }
0x51: {  	_ =	shalt  }
0x52: {  	_ =	shalt  }
0x53: {  	_ =	shalt  }
0x54: {  	_ =	shalt  }
0x55: {  	_ =	shalt  }
0x56: {  	_ =	shalt  }
0x57: {  	_ =	shalt  }
0x58: {  	_ =	shalt  }
0x59: {  	_ =	shalt  }
0x5a: {  	_ =	shalt  }
0x5b: {  	_ =	shalt  }
0x5c: {  	_ =	shalt  }
0x5d: {  	_ =	shalt  }
0x5e: {  	_ =	shalt  }
0x5f: {  	_ =	shalt  }
0x60: {  	_ =	shalt  }
0x61: {  	_ =	shalt  }
0x62: {  	_ =	shalt  }
0x63: {  	_ =	shalt  }
0x64: {  	_ =	shalt  }
0x65: {  	_ =	shalt  }
0x66: {  	_ =	shalt  }
0x67: {  	_ =	shalt  }
0x68: {  	_ =	shalt  }
0x69: {  	_ =	shalt  }
0x6a: {  	_ =	shalt  }
0x6b: {  	_ =	shalt  }
0x6c: {  	_ =	shalt  }
0x6d: {  	_ =	shalt  }
0x6e: {  	_ =	shalt  }
0x6f: {  	_ =	shalt  }
0x70: {  	_ =	shalt  }
0x71: {  	_ =	shalt  }
0x72: {  	_ =	shalt  }
0x73: {  	_ =	shalt  }
0x74: {  	_ =	shalt  }
0x75: {  	_ =	shalt  }
0x76: {  	_ =	shalt  }
0x77: {  	_ =	shalt  }
0x78: {  	_ =	shalt  }
0x79: {  	_ =	shalt  }
0x7a: {  	_ =	shalt  }
0x7b: {  	_ =	shalt  }
0x7c: {  	_ =	shalt  }
0x7d: {  	_ =	shalt  }
0x7e: {  	_ =	shalt  }
0x7f: {  	_ =	shalt  }
0x80: {  	_ =	shalt  }
0x81: {  	_ =	shalt  }
0x82: {  	_ =	shalt  }
0x83: {  	_ =	shalt  }
0x84: {  	_ =	shalt  }
0x85: {  	_ =	shalt  }
0x86: {  	_ =	shalt  }
0x87: {  	_ =	shalt  }
.Lfunc_end0:
.L_simem_size_0:
called_computation_lowered:
.L_overlay_start_0:
0x88: {  	s2 =	sld [smem:$0x3FD9]  }
0x89: {  	s3 =	sld [smem:$0x3FFE];
	_ =	sdelay $0x1  }
0x8a: {  	s1 =	srdreg.scid  }
0x8b: {  	s0 =	sand.u32 $0x1, s1  }
0x8c: {  	s17 =	sshll.u32 s0, $0xA;
	s2 =	sadd.s32 s3, s2  }
0x8d: {  	s2 =	sadd.s32 s2, s17  }
0x8e: {  	[smem:$0x3FB3] =	sst s2  }
0x8f: {  	_ = 	snop  }
0x90: {  	s18 =	sld [smem:$0x3FC5];
	(tm) =	ssettm $0x1  }
0x91: {  	s19 =	sld [smem:$0x3FFB];
	_ =	sdelay $0x3  }
0x92: {  	_ =	strace s19  }
0x93: {  	s2 =	sld [smem:$0x3FFC];
	_ =	sdelay $0x3  }
0x94: {  	_ =	strace s2  }
0x95: {  	s2 =	sld [smem:$0x3FFD];
	_ =	sdelay $0x3  }
0x96: {  	_ =	strace s2  }
0x97: {  	_ =	strace $0x8FFFFFFF  }
0x98: {  	s20 =	sld [smem:$0x3FDB];
	_ =	sdelay $0x1  }
0x99: {  	s4 =	simm.s32 $_scs_section_size  }
0x9a: {  	s5 =	simm.s32 $_size__tile_overlayer_lowered;
	s6 =	simm.s32 $_tile_overlayer_lowered  }
0x9b: {  	s7 =	simm.s32 $0x1BFF;
	s21 =	sshll.u32 s6, $0x1;
	s4 =	sadd.s32 s4, s20  }
0x9c: {  	s22 =	simm.s32 $0x0;
	s5 =	sshll.u32 s5, $0x1;
	s6 =	sadd.s32 s21, s4  }
0x9d: {  	[timem:s22], [sflag:s7] =	dma.local [hbm:s6], s5  }
0x9e: {  	_ =	swait.ge [sflag:s7], s5  }
0x9f: {  	s5 =	ssub.s32 $0x0, s5;
	[sflag:s7] =	ssyncset.done $0x0  }
0xa0: {  	[sflag:s7] =	ssyncadd.s32 s5;
	_ =	sdelay $0x1  }
0xa1: {  	s23 =	simm.s32 $0x1B8B  }
0xa2: {  	_ =	swait.ge [sflag:s23], $0x1  }
0xa3: {  	[sflag:s23] =	ssyncset.done $0x0  }
0xa4: {  	[sflag:s23] =	ssyncadd.s32 $0xFFFFFFFF  }
0xa5: {  	s5 =	sld [smem:$0x0]  }
0xa6: {  	s6 =	sand.u32 $0xFFFFFFFE, s1  }
0xa7: {  	p0 =	sne.s32 s1, s6  }
0xa8: {  	s6 =	sshll.u32 @p0 s6, $0xE  }
0xa9: {  	s6 =	sadd.s32 @p0 $0x11B8D, s6;
	s7 =	sshll.u32 @p0 s5, $0x11  }
0xaa: {  	s6 =	sor.u32 @p0 s7, s6  }
0xab: {  	[sflag:s6] =	ssyncadd.remote.s32 @p0 $0x1;
	_ =	sdelay $0x1  }
0xac: {  	s6 =	simm.s32 @p0 $0x1B8D  }
0xad: {  	_ =	swait.eq @p0 [sflag:s6], $0x1  }
0xae: {  	[sflag:s6] =	ssyncadd.s32 @p0 $0xFFFFFFFF  }
0xaf: {  	s7 =	sshll.u32 @!p0 s1, $0xE  }
0xb0: {  	s7 =	sor.u32 @!p0 $0x4000, s7;
	s6 =	simm.s32 @!p0 $0x1B8D  }
0xb1: {  	s5 =	sshll.u32 @!p0 s5, $0x11;
	s7 =	sadd.s32 @!p0 $0x11B8D, s7;
	_ =	swait.eq @!p0 [sflag:s6], $0x1  }
0xb2: {  	s5 =	sor.u32 @!p0 s5, s7;
	[sflag:s6] =	ssyncadd.s32 @!p0 $0xFFFFFFFF  }
0xb3: {  	s25 =	simm.s32 $0x1B8E;
	s24 =	sld [smem:$0x3FFE];
	[sflag:s5] =	ssyncadd.remote.s32 @!p0 $0x1  }
0xb4: {  	s26 =	simm.s32 $execute0_lowered;
	[smem:$0x3FD2] =	sst s25  }
0xb5: {  	s6 =	sshll.u32 s26, $0x1;
	_ =	strace $0x80000049;
	[dreg:$0x1] =	wrdreg $0xFFFFFFFF  }
0xb6: {  	s28 =	simm.s32 $_size_execute0_lowered;
	s4 =	sadd.s32 s4, s6;
	[dreg:$0x0] =	wrdreg $0x0  }
0xb7: {  	s6 =	sshll.u32 s28, $0x1;
	[dreg:$0x2] =	wrdreg s4  }
0xb8: {  	[dreg:$0x3] =	wrdreg s6  }
0xb9: {  	[dreg:$0x4] =	wrdreg $0xC0  }
0xba: {  	_ =	task [dreg:s22], $0x5FFFF  }
0xbb: {  	[dreg:$0x1] =	wrdreg $0xFFFFFFFF  }
0xbc: {  	[dreg:$0x0] =	wrdreg $0x60  }
0xbd: {  	[dreg:$0x2] =	wrdreg s18  }
0xbe: {  	[dreg:$0x3] =	wrdreg s24  }
0xbf: {  	[dreg:$0x4] =	wrdreg $0x28800  }
0xc0: {  	[dreg:$0x5] =	wrdreg $0x9  }
0xc1: {  	_ =	task.clear_ibuf [dreg:s22], $0x6FFFF;
	_ =	strace $0x90000049  }
0xc2: {  	s29 =	simm.s32 $0x9;
	_ =	strace $0x8000004B  }
0xc3: {  	_ =	swait.ge [sflag:s29], $0x1  }
0xc4: {  	[sflag:s29] =	ssyncadd.s32 $0xFFFFFFFF  }
0xc5: {  	_ =	strace $0x9000004B  }
0xc6: {  	_ =	sfence  }
0xc7: {  	s30 =	sld [smem:$0x0];
	_ =	sdelay $0x2  }
0xc8: {  	s31 =	sshll.u32 s1, $0xD;
	s1 =	sshrl.u32 s1, $0x2  }
0xc9: {  	s4 =	sand.u32 $0x4000, s31;
	s1 =	sadd.s32 s1, s30  }
0xca: {  	s0 =	sor.u32 s4, s0;
	s1 =	sshll.u32 s1, $0x11  }
0xcb: {  	s0 =	sor.u32 s1, s0  }
0xcc: {  	s0 =	sadd.s32 $0x8F2B, s0  }
0xcd: {  	[sflag:s0] =	ssyncadd.remote.s32 $0x1  }
0xce: {  	_ =	sfence.sel $0xFFFF  }
0xcf: {  	[dreg:$0x0] =	wrdreg $0xFFFFFFFF;
	(pc) =	sbr.abs _section_cstart, $3  }
0xd0: {  	[dreg:$0x1] =	wrdreg $0xFFFFFFFF  }
0xd1: {  	_ =	task.clear_ibuf [dreg:s22], $0x2FFFF;
	_ =	strace $0x9FFFFFFF  }
0xd2: {  	(tm) =	ssettm $0x7FFFFFFF  }
0xd3: {  	_ =	shalt  }
tec
execute0_lowered:
.L_overlay_start_1:
0x0: {  	(tag) =	ssettag $0x1  }
0x1: {  	s7 =	rddreg [dreg:$0x0];
	s0 =	srdreg.scid  }
0x2: {  	s5 =	rddreg [dreg:$0x1];
	s11 =	stileid.u32  }
0x3: {  	s1 =	rddreg [dreg:$0x2];
	s4 =	smul.u32 $0x2710, s11  }
0x4: {  	s2 =	simm.s32 $0x0;
	s17 =	simm.s32 $0x0;
	s8 =	smul.u32 $0x13800, s11  }
0x5: {  	s6 =	sand.u32 $0x1, s0;
	s0 =	rddreg [dreg:$0x3];
	s10 =	smul.u32 $0x4E000, s11  }
0x6: {  	[smem:$0x7FF] =	sst s2;
	s13 =	sadd.s32 $0x56F600, s5;
	s30 =	smul.u32 $0x27100, s11  }
0x7: {  	s25 =	sshll.u32 s11, $0x6;
	s15 =	sadd.s32 $0x138000, s1;
	s3 =	smul.u32 $0x27100, s6  }
0x8: {  	p0 =	sne.s32 s11, $0x0;
	_ =	strace $0x8000004A;
	s26 =	smul.u32 $0x138800, s6  }
0x9: {  	s9 =	ssub.s32 $0x2, s6;
	s16 =	smul.u32 $0x271000, s6;
	s21 =	sshrl.u32 s8, $0x3  }
0xa: {  	s23 =	sshrl.u32 s9, $0x1;
	s24 =	sshrl.u32 s10, $0x2;
	s3 =	sadd.s32 s4, s3  }
0xb: {  	s22 =	sadd.s32 s21, s5;
	s9 =	ssub.s32 s9, s23;
	s14 =	sadd.s32 s24, s1  }
0xc: {  	s4 =	sor.u32 $0x1C02, s25;
	s8 =	sadd.s32 s8, s26;
	s29 =	sshrl.u32 s26, $0x3  }
0xd: {  	s31 =	sadd.s32 s16, s7;
	s16 =	simm.s32 $0x50;
	s3 =	sshrl.u32 s3, $0x3  }
0xe: {  	s28 =	sshrl.u32 s8, $0x3;
	s8 =	sadd.s32 s13, s29;
	s11 =	sshrl.u32 s14, $0x3  }
0xf: {  	s14 =	simm.s32 $0x80;
	s12 =	sadd.s32 s3, s5;
	s3 =	sadd.s32 $0x548400, s22  }
0x10: {  	s5 =	sadd.s32 $0x56F400, s5;
	s6 =	sadd.s32 s13, s28;
	s7 =	sadd.s32 $0x27000, s8  }
0x11: {  	s8 =	smax.u32 s9, $0x1;
	s9 =	sadd.s32 s30, s31;
	s13 =	sshrl.u32 @!p0 s15, $0x3  }
0x12: {  	s15 =	simm.s32 $0x1;
	s10 =	sadd.s32 $0xDC00, s12;
	s12 =	simm.s32 $0x2  }
.LBB2_1:
0x13: {  	[spmem:s11], [sflag:s4] =	dma.local [hbm:s3], $0x2700  }
0x14: {  	_ =	swait.ge [sflag:s12], $0x2700  }
0x15: {  	[sflag:s12] =	ssyncset.done $0x0  }
0x16: {  	s18 =	simm.s32 @!p0 $0x2;
	[sflag:s12] =	ssyncadd.s32 $0xFFFFD900  }
0x17: {  	[spmem:s13], [sflag:s4] =	dma.local @!p0 [hbm:s5], $0x100  }
0x18: {  	_ =	swait.ge @!p0 [sflag:s18], $0x100  }
0x19: {  	[sflag:s18] =	ssyncset.done @!p0 $0x0  }
0x1a: {  	[sflag:s18] =	ssyncadd.s32 @!p0 $0xFFFFFF00  }
0x1b: {  	s31 =	sadd.s32 $0x0, s10;
	[bflag:$0x0] =	sbarrier.arrive $0xFFFF  }
0x1c: {  	[tilespmem:s2], [sflag:$0x2] =	stream.linear.gather [hbm4b:s31+s2], $0x50, $0x38;
	[tilespmem:$0x16100] =	vst v63  }
0x1d: {  	_ =	swait.ge [sflag:s12], $0x50  }
0x1e: {  	[sflag:s12] =	ssyncset.done $0x0  }
0x1f: {  	[sflag:s12] =	ssyncadd.s32 $0xFFFFFFB0  }
0x20: {  	[tilespmem:s14], [sflag:$0x1] =	stream.linear.gather [hbm4b:s9+s2], $0x2800, $0x38;
	[tilespmem:$0x16100] =	vst v63  }
0x21: {  	_ =	swait.ge [sflag:s15], $0x2800  }
0x22: {  	[sflag:s15] =	ssyncset.done $0x0  }
0x23: {  	[sflag:s15] =	ssyncadd.s32 $0xFFFFD800  }
0x24: {  	[spmem:s1] =	stream.indirect.scatter.add.f32 [tilespmem:s14], [sflag:$0x2], $0x80, s2, s16, $0xb8;
	[tilespmem:$0x16100] =	vst v63  }
0x25: {  	s19 =	simm.s32 $0xA;
	_ =	swait.ge [sflag:s12], $0x2800  }
0x26: {  	s20 =	simm.s32 $0x14;
	s18 =	sadd.s32 $0x500, s9;
	[sflag:s12] =	ssyncset.done $0x0  }
.LBB2_2:
0x27: {  	s21 =	sadd.s32 s19, s10  }
0x28: {  	[sflag:s12] =	ssyncadd.s32 $0xFFFFD800;
	s19 =	smov.u32 s20;
	s22 =	sadd.s32 $0xA, s20  }
0x29: {  	[tilespmem:s2], [sflag:$0x2] =	stream.linear.gather [hbm4b:s21+s2], $0x50, $0x38;
	[tilespmem:$0x16100] =	vst v63  }
0x2a: {  	p1 =	sne.s32 s20, $0x4D8;
	_ =	swait.ge [sflag:s12], $0x50  }
0x2b: {  	[sflag:s12] =	ssyncset.done $0x0  }
0x2c: {  	[sflag:s12] =	ssyncadd.s32 $0xFFFFFFB0  }
0x2d: {  	[tilespmem:s14], [sflag:$0x1] =	stream.linear.gather [hbm4b:s18+s2], $0x2800, $0x38;
	[tilespmem:$0x16100] =	vst v63  }
0x2e: {  	_ =	swait.ge [sflag:s15], $0x2800  }
.Ltmp0:
0x2f: {  	[sflag:s15] =	ssyncset.done $0x0;
	(pc) =	sbr.rel @p1 .LBB2_2-.Ltmp0, $4  }
0x30: {  	[sflag:s15] =	ssyncadd.s32 $0xFFFFD800  }
0x31: {  	[spmem:s1] =	stream.indirect.scatter.add.f32 [tilespmem:s14], [sflag:$0x2], $0x80, s2, s16, $0xb8;
	[tilespmem:$0x16100] =	vst v63  }
0x32: {  	_ =	swait.ge [sflag:s12], $0x2800  }
0x33: {  	s20 =	smov.u32 s22;
	s18 =	sadd.s32 $0x500, s18;
	[sflag:s12] =	ssyncset.done $0x0  }
0x34: {  	s19 =	sadd.s32 s19, s10;
	[sflag:s12] =	ssyncadd.s32 $0xFFFFD800  }
0x35: {  	[tilespmem:s2], [sflag:$0x2] =	stream.linear.gather [hbm4b:s19+s2], $0x50, $0x38;
	[tilespmem:$0x16100] =	vst v63  }
0x36: {  	_ =	swait.ge [sflag:s12], $0x50  }
0x37: {  	[sflag:s12] =	ssyncset.done $0x0  }
0x38: {  	[sflag:s12] =	ssyncadd.s32 $0xFFFFFFB0  }
0x39: {  	[tilespmem:s14], [sflag:$0x1] =	stream.linear.gather [hbm4b:s18+s2], $0x2800, $0x38;
	[tilespmem:$0x16100] =	vst v63  }
0x3a: {  	_ =	swait.ge [sflag:s15], $0x2800  }
0x3b: {  	[sflag:s15] =	ssyncset.done $0x0  }
0x3c: {  	[sflag:s15] =	ssyncadd.s32 $0xFFFFD800  }
0x3d: {  	[spmem:s1] =	stream.indirect.scatter.add.f32 [tilespmem:s14], [sflag:$0x2], $0x80, s2, s16, $0xb8;
	[tilespmem:$0x16100] =	vst v63  }
0x3e: {  	_ =	swait.ge [sflag:s12], $0x2800  }
0x3f: {  	[sflag:s12] =	ssyncset.done $0x0  }
0x40: {  	[sflag:s12] =	ssyncadd.s32 $0xFFFFD800  }
0x41: {  	[bflag:$0x0] =	sbarrier.arrive $0xFFFF  }
0x42: {  	[hbm:s6], [sflag:s4] =	dma.local [spmem:s11], $0x2700  }
0x43: {  	s17 =	sadd.s32 $0x1, s17;
	_ =	swait.ge [sflag:s12], $0x2700  }
0x44: {  	p1 =	sne.s32 s17, s8;
	[sflag:s12] =	ssyncset.done $0x0  }
.Ltmp1:
0x45: {  	s18 =	simm.s32 @!p0 $0x2;
	[sflag:s12] =	ssyncadd.s32 $0xFFFFD900;
	(pc) =	sbr.rel @p1 .LBB2_1-.Ltmp1, $4  }
0x46: {  	[hbm:s7], [sflag:s4] =	dma.local @!p0 [spmem:s13], $0x100  }
0x47: {  	_ =	swait.ge @!p0 [sflag:s18], $0x100  }
0x48: {  	[sflag:s18] =	ssyncset.done @!p0 $0x0  }
0x49: {  	[sflag:s18] =	ssyncadd.s32 @!p0 $0xFFFFFF00  }
0x4a: {  	_ =	sfence.sel $0x180000  }
0x4b: {  	[bflag:$0x0] =	sbarrier.arrive $0xFFFF  }
0x4c: {  	_ =	strace $0x9000004A  }
0x4d: {  	s0 =	sadd.s32 @!p0 $0x100000, s0;
	[bflag:$0x2] =	sbarrier.arrive $0xFFFF  }
0x4e: {  	[sflag:s0] =	ssyncadd.tile.s32 @!p0 $0x1;
	_ =	shalt  }
.Lfunc_end2:
_tile_overlayer_lowered:
.L_overlay_start_2:
0x4f: {  	(tag) =	ssettag $0x2  }
0x50: {  	s0 =	rddreg [dreg:$0x0];
	s2 =	stileid.u32  }
0x51: {  	s1 =	rddreg [dreg:$0x1];
	p0 =	sne.s32 s2, $0x0  }
0x52: {  	s3 =	rddreg [dreg:$0x2];
	[bflag:$0x3] =	sbarrier.arrive $0xFFFF;
	s2 =	simm.s32 @!p0 $0x1C02  }
0x53: {  	[timem:s3], [sflag:s2] =	dma.local @!p0 [hbm:s0], s1  }
0x54: {  	s0 =	simm.s32 @!p0 $0x2  }
0x55: {  	_ =	swait.ge @!p0 [sflag:s0], s1  }
0x56: {  	s1 =	ssub.s32 @!p0 $0x0, s1;
	[sflag:s0] =	ssyncset.done @!p0 $0x0  }
0x57: {  	[sflag:s0] =	ssyncadd.s32 @!p0 s1  }
0x58: {  	[bflag:$0x3] =	sbarrier.arrive $0xFFFF  }
0x59: {  	_ =	shalt  }

// kernel: kernel.13.cloned.1.call-start
scs
__scs_entry_jumppad:
0x0: {  	(pc) =	sbr.rel $0x88, $3  }
0x1: {  	(tag) =	ssettag $0x0;
	lr =	simm.s32 $0x1  }
0x2: {  	[smem:$0x3F8C] =	sst lr;
	_ =	strace $0xD0000000  }
0x3: {  	_ = 	snop  }
0x4: {  	_ = 	snop  }
0x5: {  	_ = 	snop  }
0x6: {  	_ = 	snop  }
0x7: {  	_ = 	snop  }
__scs_overlays_trampoline_lowered:
0x8: {  	[smem:$0x3F9B] =	sst s0  }
0x9: {  	[smem:$0x3F9C] =	sst s1  }
0xa: {  	[smem:$0x3F9D] =	sst s2  }
0xb: {  	[smem:$0x3F9E] =	sst s3  }
0xc: {  	[smem:$0x3F9F] =	sst s4  }
0xd: {  	[smem:$0x3FA0] =	sst s5  }
0xe: {  	[smem:$0x3FA1] =	sst s6  }
0xf: {  	[smem:$0x3FA2] =	sst s7  }
0x10: {  	[smem:$0x3FA3] =	sst s8  }
0x11: {  	[smem:$0x3FA4] =	sst s9;
	s0 =	simm.s32 @!p0 $0x0  }
0x12: {  	s1 =	sld [smem:$0x3F8A];
	s0 =	simm.s32 @p0 $0x1  }
0x13: {  	[smem:$0x3FA5] =	sst s0;
	s0 =	simm.s32 @!p1 $0x0  }
0x14: {  	s2 =	sld [smem:$0x3F89];
	s0 =	simm.s32 @p1 $0x1  }
0x15: {  	[smem:$0x3FA6] =	sst s0;
	s0 =	simm.s32 @!p2 $0x0  }
0x16: {  	s3 =	sld [smem:$0x3FDB];
	s0 =	simm.s32 @p2 $0x1  }
0x17: {  	s4 =	simm.s32 $0x1BF5;
	[smem:$0x3FA8] =	sst s0  }
0x18: {  	s0 =	sld [smem:$0x3F8B];
	_ =	swait.ge [sflag:s4], $0x0  }
0x19: {  	s7 =	sld [smem:$0x3F8C]  }
0x1a: {  	s8 =	sadd.s32 $0xFFFFE003, lr  }
0x1b: {  	s9 =	sadd.s32 $0xFFFFFEF7, lr;
	s5 =	simm.s32 $0xFFFFFFFF;
	p2 =	slt.u32 s8, $0xFFFFF086  }
0x1c: {  	p1 =	slt.u32 s9, $0xF7A;
	s5 =	simm.s32 @!p2 $0x0  }
0x1d: {  	s5 =	simm.s32 @p1 $0x1;
	p0 =	seq.s32 s7, s2  }
0x1e: {  	s7 =	smul.u32 @!p0 $0xF7A, s2;
	p2 =	seq.s32 @!p0 s5, $0x0  }
0x1f: {  	s9 =	smul.u32 $0xF7A, s1;
	s8 =	simm.s32 @!p0 $0x1BF5;
	p2 =	por !p2, p0  }
0x20: {  	[sflag:s8] =	ssyncset.s32 @!p0 $0xFFFFF086;
	s6 =	sadd.s32 @!p0 s3, s7;
	s7 =	simm.s32 @!p0 $0x108  }
0x21: {  	s3 =	sadd.s32 s3, s9;
	s6 =	sadd.s32 @!p0 $0x88, s6;
	s7 =	simm.s32 @p2 $0x1082  }
0x22: {  	[simem:s7], [sflag:s8] =	dma.local @!p0 [hbm:s6], $0xF7A  }
0x23: {  	s9 =	sor.u32 $0xD0000000, s2;
	s6 =	simm.s32 $0x108;
	_ =	swait.ge @!p0 [sflag:s8], $0x0  }
0x24: {  	s3 =	sadd.s32 $0x88, s3;
	s6 =	simm.s32 @!p1 $0x1082;
	[sflag:s4] =	ssyncset.s32 $0xFFFFF086  }
0x25: {  	[simem:s6], [sflag:s4] =	dma.local [hbm:s3], $0xF7A  }
0x26: {  	[smem:$0x3F8C] =	sst s1;
	(tag) =	ssettag s2;
	_ =	strace s9  }
0x27: {  	s1 =	sld [smem:$0x3F9C]  }
0x28: {  	s2 =	sld [smem:$0x3F9D]  }
0x29: {  	s4 =	sld [smem:$0x3F9F]  }
0x2a: {  	p0 =	seq.s32 s5, $0x0;
	s5 =	sld [smem:$0x3FA0]  }
0x2b: {  	s6 =	sld [smem:$0x3FA1]  }
0x2c: {  	s7 =	sld [smem:$0x3FA2]  }
0x2d: {  	s3 =	simm.s32 $0x108;
	s8 =	sld [smem:$0x3FA3]  }
0x2e: {  	s3 =	simm.s32 @!p0 $0x1082;
	s9 =	sld [smem:$0x3FA4]  }
0x2f: {  	lr =	sadd.s32 s0, s3;
	s0 =	sld [smem:$0x3F9B]  }
0x30: {  	s3 =	sld [smem:$0x3F9E]  }
0x31: {  	[smem:$0x3FA7] =	sst s10  }
0x32: {  	s10 =	sld [smem:$0x3FA5];
	_ =	sdelay $0x3  }
0x33: {  	p0 =	seq.s32 s10, $0x1;
	s10 =	sld [smem:$0x3FA7];
	_ =	sdelay $0x3  }
0x34: {  	[smem:$0x3FA7] =	sst s10  }
0x35: {  	s10 =	sld [smem:$0x3FA6];
	_ =	sdelay $0x3  }
0x36: {  	p1 =	seq.s32 s10, $0x1;
	s10 =	sld [smem:$0x3FA7];
	_ =	sdelay $0x3  }
0x37: {  	[smem:$0x3FA7] =	sst s10  }
0x38: {  	s10 =	sld [smem:$0x3FA8]  }
0x39: {  	_ = 	snop;
	(pc) =	sbr.ind lr, $3  }
0x3a: {  	_ = 	snop  }
0x3b: {  	_ = 	snop  }
0x3c: {  	p2 =	seq.s32 s10, $0x1;
	s10 =	sld [smem:$0x3FA7]  }
0x3d: {  	_ =	shalt  }
0x3e: {  	_ =	shalt  }
0x3f: {  	_ =	shalt  }
0x40: {  	_ =	shalt  }
0x41: {  	_ =	shalt  }
0x42: {  	_ =	shalt  }
0x43: {  	_ =	shalt  }
0x44: {  	_ =	shalt  }
0x45: {  	_ =	shalt  }
0x46: {  	_ =	shalt  }
0x47: {  	_ =	shalt  }
0x48: {  	_ =	shalt  }
0x49: {  	_ =	shalt  }
0x4a: {  	_ =	shalt  }
0x4b: {  	_ =	shalt  }
0x4c: {  	_ =	shalt  }
0x4d: {  	_ =	shalt  }
0x4e: {  	_ =	shalt  }
0x4f: {  	_ =	shalt  }
0x50: {  	_ =	shalt  }
0x51: {  	_ =	shalt  }
0x52: {  	_ =	shalt  }
0x53: {  	_ =	shalt  }
0x54: {  	_ =	shalt  }
0x55: {  	_ =	shalt  }
0x56: {  	_ =	shalt  }
0x57: {  	_ =	shalt  }
0x58: {  	_ =	shalt  }
0x59: {  	_ =	shalt  }
0x5a: {  	_ =	shalt  }
0x5b: {  	_ =	shalt  }
0x5c: {  	_ =	shalt  }
0x5d: {  	_ =	shalt  }
0x5e: {  	_ =	shalt  }
0x5f: {  	_ =	shalt  }
0x60: {  	_ =	shalt  }
0x61: {  	_ =	shalt  }
0x62: {  	_ =	shalt  }
0x63: {  	_ =	shalt  }
0x64: {  	_ =	shalt  }
0x65: {  	_ =	shalt  }
0x66: {  	_ =	shalt  }
0x67: {  	_ =	shalt  }
0x68: {  	_ =	shalt  }
0x69: {  	_ =	shalt  }
0x6a: {  	_ =	shalt  }
0x6b: {  	_ =	shalt  }
0x6c: {  	_ =	shalt  }
0x6d: {  	_ =	shalt  }
0x6e: {  	_ =	shalt  }
0x6f: {  	_ =	shalt  }
0x70: {  	_ =	shalt  }
0x71: {  	_ =	shalt  }
0x72: {  	_ =	shalt  }
0x73: {  	_ =	shalt  }
0x74: {  	_ =	shalt  }
0x75: {  	_ =	shalt  }
0x76: {  	_ =	shalt  }
0x77: {  	_ =	shalt  }
0x78: {  	_ =	shalt  }
0x79: {  	_ =	shalt  }
0x7a: {  	_ =	shalt  }
0x7b: {  	_ =	shalt  }
0x7c: {  	_ =	shalt  }
0x7d: {  	_ =	shalt  }
0x7e: {  	_ =	shalt  }
0x7f: {  	_ =	shalt  }
0x80: {  	_ =	shalt  }
0x81: {  	_ =	shalt  }
0x82: {  	_ =	shalt  }
0x83: {  	_ =	shalt  }
0x84: {  	_ =	shalt  }
0x85: {  	_ =	shalt  }
0x86: {  	_ =	shalt  }
0x87: {  	_ =	shalt  }
.Lfunc_end0:
.L_simem_size_0:
called_computation.1_lowered:
.L_overlay_start_0:
0x88: {  	s2 =	sld [smem:$0x3FD9]  }
0x89: {  	s3 =	sld [smem:$0x3FFE];
	_ =	sdelay $0x1  }
0x8a: {  	s1 =	srdreg.scid  }
0x8b: {  	s0 =	sand.u32 $0x1, s1  }
0x8c: {  	s16 =	sshll.u32 s0, $0xA;
	s2 =	sadd.s32 s3, s2  }
0x8d: {  	s2 =	sadd.s32 s2, s16  }
0x8e: {  	[smem:$0x3FB3] =	sst s2  }
0x8f: {  	_ = 	snop  }
0x90: {  	(tm) =	ssettm $0x1  }
0x91: {  	s17 =	sld [smem:$0x3FFB];
	_ =	sdelay $0x3  }
0x92: {  	_ =	strace s17  }
0x93: {  	s2 =	sld [smem:$0x3FFC];
	_ =	sdelay $0x3  }
0x94: {  	_ =	strace s2  }
0x95: {  	s2 =	sld [smem:$0x3FFD];
	_ =	sdelay $0x3  }
0x96: {  	_ =	strace s2  }
0x97: {  	_ =	strace $0x8FFFFFFF  }
0x98: {  	s18 =	sld [smem:$0x3FDB];
	_ =	sdelay $0x1  }
0x99: {  	s19 =	simm.s32 $_scs_section_size  }
0x9a: {  	s4 =	simm.s32 $_size__tile_overlayer_lowered;
	s5 =	simm.s32 $_tile_overlayer_lowered  }
0x9b: {  	s22 =	simm.s32 $0x1BFF;
	s21 =	sshll.u32 s5, $0x1;
	s2 =	sadd.s32 s19, s18  }
0x9c: {  	s6 =	simm.s32 $0x0;
	s20 =	sshll.u32 s4, $0x1;
	s4 =	sadd.s32 s21, s2  }
0x9d: {  	[timem:s6], [sflag:s22] =	dma.local [hbm:s4], s20  }
0x9e: {  	_ =	swait.ge [sflag:s22], s20  }
0x9f: {  	s3 =	ssub.s32 $0x0, s20;
	[sflag:s22] =	ssyncset.done $0x0  }
0xa0: {  	[sflag:s22] =	ssyncadd.s32 s3;
	_ =	sdelay $0x1  }
0xa1: {  	s23 =	simm.s32 $0x1B8B  }
0xa2: {  	_ =	swait.ge [sflag:s23], $0x1  }
0xa3: {  	[sflag:s23] =	ssyncset.done $0x0  }
0xa4: {  	s25 =	simm.s32 $0x1B8E;
	s24 =	sld [smem:$0x3FFE];
	[sflag:s23] =	ssyncadd.s32 $0xFFFFFFFF  }
0xa5: {  	s26 =	simm.s32 $execute0_lowered;
	[smem:$0x3FD2] =	sst s25  }
0xa6: {  	s4 =	sshll.u32 s26, $0x1;
	_ =	strace $0x80000046;
	[dreg:$0x1] =	wrdreg $0xFFFFFFFF  }
0xa7: {  	s28 =	simm.s32 $_size_execute0_lowered;
	s2 =	sadd.s32 s2, s4;
	[dreg:$0x0] =	wrdreg $0x0  }
0xa8: {  	s4 =	sshll.u32 s28, $0x1;
	[dreg:$0x2] =	wrdreg s2  }
0xa9: {  	[dreg:$0x3] =	wrdreg s4  }
0xaa: {  	[dreg:$0x4] =	wrdreg $0xC0  }
0xab: {  	_ =	task [dreg:s6], $0x5FFFF  }
0xac: {  	[dreg:$0x1] =	wrdreg $0xFFFFFFFF  }
0xad: {  	[dreg:$0x0] =	wrdreg $0x60  }
0xae: {  	[dreg:$0x2] =	wrdreg s24  }
0xaf: {  	[dreg:$0x3] =	wrdreg $0xA  }
0xb0: {  	_ =	task.clear_ibuf [dreg:s6], $0x4FFFF;
	_ =	strace $0x90000046  }
0xb1: {  	s29 =	simm.s32 $0xA;
	_ =	strace $0x80000048  }
0xb2: {  	_ =	swait.ge [sflag:s29], $0x1  }
0xb3: {  	[sflag:s29] =	ssyncadd.s32 $0xFFFFFFFF  }
0xb4: {  	_ =	strace $0x90000048  }
0xb5: {  	_ =	sfence  }
0xb6: {  	s30 =	sld [smem:$0x0];
	_ =	sdelay $0x2  }
0xb7: {  	s31 =	sshll.u32 s1, $0xD;
	s1 =	sshrl.u32 s1, $0x2  }
0xb8: {  	s3 =	sand.u32 $0x4000, s31;
	s1 =	sadd.s32 s1, s30  }
0xb9: {  	s0 =	sor.u32 s3, s0;
	s1 =	sshll.u32 s1, $0x11  }
0xba: {  	s0 =	sor.u32 s1, s0  }
0xbb: {  	s0 =	sadd.s32 $0x8F2B, s0  }
0xbc: {  	[sflag:s0] =	ssyncadd.remote.s32 $0x1  }
0xbd: {  	_ =	sfence.sel $0xFFFF  }
0xbe: {  	[dreg:$0x0] =	wrdreg $0xFFFFFFFF;
	(pc) =	sbr.abs _section_cstart, $3  }
0xbf: {  	[dreg:$0x1] =	wrdreg $0xFFFFFFFF  }
0xc0: {  	_ =	task.clear_ibuf [dreg:s6], $0x2FFFF;
	_ =	strace $0x9FFFFFFF  }
0xc1: {  	(tm) =	ssettm $0x7FFFFFFF  }
tec
execute0_lowered:
.L_overlay_start_1:
0x0: {  	(tag) =	ssettag $0x1  }
0x1: {  	s4 =	rddreg [dreg:$0x0];
	s1 =	srdreg.scid  }
0x2: {  	s0 =	rddreg [dreg:$0x1];
	s2 =	simm.s32 $0x0;
	s5 =	sand.u32 $0x1, s1  }
0x3: {  	s10 =	simm.s32 $0x1;
	s1 =	stileid.u32;
	s6 =	smul.u32 $0x27100, s5  }
0x4: {  	s11 =	simm.s32 $0x0;
	[smem:$0x7FF] =	sst s2;
	s7 =	smul.u32 $0x2710, s1  }
0x5: {  	s3 =	sadd.s32 $0x18000, s4;
	s8 =	smul.u32 $0x271000, s5;
	s5 =	ssub.s32 $0x2, s5  }
0x6: {  	_ =	strace $0x80000047;
	s9 =	smul.u32 $0x27100, s1;
	s31 =	sshrl.u32 s5, $0x1  }
0x7: {  	s6 =	sadd.s32 s7, s6;
	s30 =	sadd.s32 s8, s4;
	s5 =	ssub.s32 s5, s31  }
0x8: {  	s8 =	simm.s32 $0x50;
	s6 =	sshrl.u32 s6, $0x3;
	s7 =	sadd.s32 s9, s30  }
0x9: {  	s9 =	simm.s32 $0x80;
	s6 =	sadd.s32 s6, s4;
	s4 =	smax.u32 s5, $0x1  }
0xa: {  	s5 =	sadd.s32 $0x66400, s7;
	s7 =	simm.s32 $0x2;
	s6 =	sadd.s32 $0xDC00, s6  }
.LBB2_1:
0xb: {  	s12 =	sadd.s32 $0x0, s6  }
0xc: {  	[tilespmem:s2], [sflag:$0x2] =	stream.linear.gather [hbm4b:s12+s2], $0x50, $0x38;
	[tilespmem:$0x2880] =	vst v63  }
0xd: {  	_ =	swait.ge [sflag:s7], $0x50  }
0xe: {  	[sflag:s7] =	ssyncset.done $0x0  }
0xf: {  	[sflag:s7] =	ssyncadd.s32 $0xFFFFFFB0  }
0x10: {  	[tilespmem:s9], [sflag:$0x1] =	stream.indirect.gather [hbm4b:s3+s8], $0x80, s2, s8, $0xb8;
	[tilespmem:$0x2880] =	vst v63  }
0x11: {  	_ =	swait.ge [sflag:s10], $0x2800  }
0x12: {  	[sflag:s10] =	ssyncset.done $0x0  }
0x13: {  	[sflag:s10] =	ssyncadd.s32 $0xFFFFD800  }
0x14: {  	[hbm4b:s5+s2] =	stream.linear.scatter [tilespmem:s9], [sflag:$0x2], $0x2800, $0x38;
	[tilespmem:$0x2880] =	vst v63  }
0x15: {  	s13 =	simm.s32 $0xA;
	_ =	swait.ge [sflag:s7], $0x2800  }
0x16: {  	s14 =	simm.s32 $0x14;
	s12 =	sadd.s32 $0x500, s5;
	[sflag:s7] =	ssyncset.done $0x0  }
.LBB2_2:
0x17: {  	s15 =	sadd.s32 s13, s6  }
0x18: {  	[sflag:s7] =	ssyncadd.s32 $0xFFFFD800;
	s13 =	smov.u32 s14;
	s16 =	sadd.s32 $0xA, s14  }
0x19: {  	[tilespmem:s2], [sflag:$0x2] =	stream.linear.gather [hbm4b:s15+s2], $0x50, $0x38;
	[tilespmem:$0x2880] =	vst v63  }
0x1a: {  	p0 =	sne.s32 s14, $0x4D8;
	_ =	swait.ge [sflag:s7], $0x50  }
0x1b: {  	[sflag:s7] =	ssyncset.done $0x0  }
0x1c: {  	[sflag:s7] =	ssyncadd.s32 $0xFFFFFFB0  }
0x1d: {  	[tilespmem:s9], [sflag:$0x1] =	stream.indirect.gather [hbm4b:s3+s8], $0x80, s2, s8, $0xb8;
	[tilespmem:$0x2880] =	vst v63  }
0x1e: {  	_ =	swait.ge [sflag:s10], $0x2800  }
.Ltmp0:
0x1f: {  	[sflag:s10] =	ssyncset.done $0x0;
	(pc) =	sbr.rel @p0 .LBB2_2-.Ltmp0, $4  }
0x20: {  	[sflag:s10] =	ssyncadd.s32 $0xFFFFD800  }
0x21: {  	[hbm4b:s12+s2] =	stream.linear.scatter [tilespmem:s9], [sflag:$0x2], $0x2800, $0x38;
	[tilespmem:$0x2880] =	vst v63  }
0x22: {  	_ =	swait.ge [sflag:s7], $0x2800  }
0x23: {  	s14 =	smov.u32 s16;
	s12 =	sadd.s32 $0x500, s12;
	[sflag:s7] =	ssyncset.done $0x0  }
0x24: {  	s13 =	sadd.s32 s13, s6;
	[sflag:s7] =	ssyncadd.s32 $0xFFFFD800  }
0x25: {  	[tilespmem:s2], [sflag:$0x2] =	stream.linear.gather [hbm4b:s13+s2], $0x50, $0x38;
	[tilespmem:$0x2880] =	vst v63  }
0x26: {  	_ =	swait.ge [sflag:s7], $0x50  }
0x27: {  	[sflag:s7] =	ssyncset.done $0x0  }
0x28: {  	[sflag:s7] =	ssyncadd.s32 $0xFFFFFFB0  }
0x29: {  	[tilespmem:s9], [sflag:$0x1] =	stream.indirect.gather [hbm4b:s3+s8], $0x80, s2, s8, $0xb8;
	[tilespmem:$0x2880] =	vst v63  }
0x2a: {  	s11 =	sadd.s32 $0x1, s11;
	_ =	swait.ge [sflag:s10], $0x2800  }
0x2b: {  	p0 =	sne.s32 s11, s4;
	[sflag:s10] =	ssyncset.done $0x0  }
.Ltmp1:
0x2c: {  	[sflag:s10] =	ssyncadd.s32 $0xFFFFD800;
	(pc) =	sbr.rel @p0 .LBB2_1-.Ltmp1, $4  }
0x2d: {  	[hbm4b:s12+s2] =	stream.linear.scatter [tilespmem:s9], [sflag:$0x2], $0x2800, $0x38;
	[tilespmem:$0x2880] =	vst v63  }
0x2e: {  	_ =	swait.ge [sflag:s7], $0x2800  }
0x2f: {  	[sflag:s7] =	ssyncset.done $0x0  }
0x30: {  	[sflag:s7] =	ssyncadd.s32 $0xFFFFD800  }
0x31: {  	_ =	sfence.sel $0x180000  }
0x32: {  	[bflag:$0x0] =	sbarrier.arrive $0xFFFF  }
0x33: {  	p0 =	sne.s32 s1, $0x0;
	_ =	strace $0x90000047  }
0x34: {  	s0 =	sadd.s32 @!p0 $0x100000, s0;
	[bflag:$0x2] =	sbarrier.arrive $0xFFFF  }
0x35: {  	[sflag:s0] =	ssyncadd.tile.s32 @!p0 $0x1;
	_ =	shalt  }
.Lfunc_end2:
_tile_overlayer_lowered:
.L_overlay_start_2:
0x36: {  	(tag) =	ssettag $0x2  }
0x37: {  	s0 =	rddreg [dreg:$0x0];
	s2 =	stileid.u32  }
0x38: {  	s1 =	rddreg [dreg:$0x1];
	p0 =	sne.s32 s2, $0x0  }
0x39: {  	s3 =	rddreg [dreg:$0x2];
	[bflag:$0x3] =	sbarrier.arrive $0xFFFF;
	s2 =	simm.s32 @!p0 $0x1C02  }
0x3a: {  	[timem:s3], [sflag:s2] =	dma.local @!p0 [hbm:s0], s1  }
0x3b: {  	s0 =	simm.s32 @!p0 $0x2  }
0x3c: {  	_ =	swait.ge @!p0 [sflag:s0], s1  }
0x3d: {  	s1 =	ssub.s32 @!p0 $0x0, s1;
	[sflag:s0] =	ssyncset.done @!p0 $0x0  }
0x3e: {  	[sflag:s0] =	ssyncadd.s32 @!p0 s1  }
0x3f: {  	[bflag:$0x3] =	sbarrier.arrive $0xFFFF  }
0x40: {  	_ =	shalt  }

// kernel: kernel.16.cloned.1.call-start
scs
__scs_entry_jumppad:
0x0: {  	(pc) =	sbr.rel $0x88, $3  }
0x1: {  	(tag) =	ssettag $0x0;
	lr =	simm.s32 $0x1  }
0x2: {  	[smem:$0x3F8C] =	sst lr;
	_ =	strace $0xD0000000  }
0x3: {  	_ = 	snop  }
0x4: {  	_ = 	snop  }
0x5: {  	_ = 	snop  }
0x6: {  	_ = 	snop  }
0x7: {  	_ = 	snop  }
__scs_overlays_trampoline_lowered:
0x8: {  	[smem:$0x3F9B] =	sst s0  }
0x9: {  	[smem:$0x3F9C] =	sst s1  }
0xa: {  	[smem:$0x3F9D] =	sst s2  }
0xb: {  	[smem:$0x3F9E] =	sst s3  }
0xc: {  	[smem:$0x3F9F] =	sst s4  }
0xd: {  	[smem:$0x3FA0] =	sst s5  }
0xe: {  	[smem:$0x3FA1] =	sst s6  }
0xf: {  	[smem:$0x3FA2] =	sst s7  }
0x10: {  	[smem:$0x3FA3] =	sst s8  }
0x11: {  	[smem:$0x3FA4] =	sst s9;
	s0 =	simm.s32 @!p0 $0x0  }
0x12: {  	s1 =	sld [smem:$0x3F8A];
	s0 =	simm.s32 @p0 $0x1  }
0x13: {  	[smem:$0x3FA5] =	sst s0;
	s0 =	simm.s32 @!p1 $0x0  }
0x14: {  	s2 =	sld [smem:$0x3F89];
	s0 =	simm.s32 @p1 $0x1  }
0x15: {  	[smem:$0x3FA6] =	sst s0;
	s0 =	simm.s32 @!p2 $0x0  }
0x16: {  	s3 =	sld [smem:$0x3FDB];
	s0 =	simm.s32 @p2 $0x1  }
0x17: {  	s4 =	simm.s32 $0x1BF5;
	[smem:$0x3FA8] =	sst s0  }
0x18: {  	s0 =	sld [smem:$0x3F8B];
	_ =	swait.ge [sflag:s4], $0x0  }
0x19: {  	s7 =	sld [smem:$0x3F8C]  }
0x1a: {  	s8 =	sadd.s32 $0xFFFFE003, lr  }
0x1b: {  	s9 =	sadd.s32 $0xFFFFFEF7, lr;
	s5 =	simm.s32 $0xFFFFFFFF;
	p2 =	slt.u32 s8, $0xFFFFF086  }
0x1c: {  	p1 =	slt.u32 s9, $0xF7A;
	s5 =	simm.s32 @!p2 $0x0  }
0x1d: {  	s5 =	simm.s32 @p1 $0x1;
	p0 =	seq.s32 s7, s2  }
0x1e: {  	s7 =	smul.u32 @!p0 $0xF7A, s2;
	p2 =	seq.s32 @!p0 s5, $0x0  }
0x1f: {  	s9 =	smul.u32 $0xF7A, s1;
	s8 =	simm.s32 @!p0 $0x1BF5;
	p2 =	por !p2, p0  }
0x20: {  	[sflag:s8] =	ssyncset.s32 @!p0 $0xFFFFF086;
	s6 =	sadd.s32 @!p0 s3, s7;
	s7 =	simm.s32 @!p0 $0x108  }
0x21: {  	s3 =	sadd.s32 s3, s9;
	s6 =	sadd.s32 @!p0 $0x88, s6;
	s7 =	simm.s32 @p2 $0x1082  }
0x22: {  	[simem:s7], [sflag:s8] =	dma.local @!p0 [hbm:s6], $0xF7A  }
0x23: {  	s9 =	sor.u32 $0xD0000000, s2;
	s6 =	simm.s32 $0x108;
	_ =	swait.ge @!p0 [sflag:s8], $0x0  }
0x24: {  	s3 =	sadd.s32 $0x88, s3;
	s6 =	simm.s32 @!p1 $0x1082;
	[sflag:s4] =	ssyncset.s32 $0xFFFFF086  }
0x25: {  	[simem:s6], [sflag:s4] =	dma.local [hbm:s3], $0xF7A  }
0x26: {  	[smem:$0x3F8C] =	sst s1;
	(tag) =	ssettag s2;
	_ =	strace s9  }
0x27: {  	s1 =	sld [smem:$0x3F9C]  }
0x28: {  	s2 =	sld [smem:$0x3F9D]  }
0x29: {  	s4 =	sld [smem:$0x3F9F]  }
0x2a: {  	p0 =	seq.s32 s5, $0x0;
	s5 =	sld [smem:$0x3FA0]  }
0x2b: {  	s6 =	sld [smem:$0x3FA1]  }
0x2c: {  	s7 =	sld [smem:$0x3FA2]  }
0x2d: {  	s3 =	simm.s32 $0x108;
	s8 =	sld [smem:$0x3FA3]  }
0x2e: {  	s3 =	simm.s32 @!p0 $0x1082;
	s9 =	sld [smem:$0x3FA4]  }
0x2f: {  	lr =	sadd.s32 s0, s3;
	s0 =	sld [smem:$0x3F9B]  }
0x30: {  	s3 =	sld [smem:$0x3F9E]  }
0x31: {  	[smem:$0x3FA7] =	sst s10  }
0x32: {  	s10 =	sld [smem:$0x3FA5];
	_ =	sdelay $0x3  }
0x33: {  	p0 =	seq.s32 s10, $0x1;
	s10 =	sld [smem:$0x3FA7];
	_ =	sdelay $0x3  }
0x34: {  	[smem:$0x3FA7] =	sst s10  }
0x35: {  	s10 =	sld [smem:$0x3FA6];
	_ =	sdelay $0x3  }
0x36: {  	p1 =	seq.s32 s10, $0x1;
	s10 =	sld [smem:$0x3FA7];
	_ =	sdelay $0x3  }
0x37: {  	[smem:$0x3FA7] =	sst s10  }
0x38: {  	s10 =	sld [smem:$0x3FA8]  }
0x39: {  	_ = 	snop;
	(pc) =	sbr.ind lr, $3  }
0x3a: {  	_ = 	snop  }
0x3b: {  	_ = 	snop  }
0x3c: {  	p2 =	seq.s32 s10, $0x1;
	s10 =	sld [smem:$0x3FA7]  }
0x3d: {  	_ =	shalt  }
0x3e: {  	_ =	shalt  }
0x3f: {  	_ =	shalt  }
0x40: {  	_ =	shalt  }
0x41: {  	_ =	shalt  }
0x42: {  	_ =	shalt  }
0x43: {  	_ =	shalt  }
0x44: {  	_ =	shalt  }
0x45: {  	_ =	shalt  }
0x46: {  	_ =	shalt  }
0x47: {  	_ =	shalt  }
0x48: {  	_ =	shalt  }
0x49: {  	_ =	shalt  }
0x4a: {  	_ =	shalt  }
0x4b: {  	_ =	shalt  }
0x4c: {  	_ =	shalt  }
0x4d: {  	_ =	shalt  }
0x4e: {  	_ =	shalt  }
0x4f: {  	_ =	shalt  }
0x50: {  	_ =	shalt  }
0x51: {  	_ =	shalt  }
0x52: {  	_ =	shalt  }
0x53: {  	_ =	shalt  }
0x54: {  	_ =	shalt  }
0x55: {  	_ =	shalt  }
0x56: {  	_ =	shalt  }
0x57: {  	_ =	shalt  }
0x58: {  	_ =	shalt  }
0x59: {  	_ =	shalt  }
0x5a: {  	_ =	shalt  }
0x5b: {  	_ =	shalt  }
0x5c: {  	_ =	shalt  }
0x5d: {  	_ =	shalt  }
0x5e: {  	_ =	shalt  }
0x5f: {  	_ =	shalt  }
0x60: {  	_ =	shalt  }
0x61: {  	_ =	shalt  }
0x62: {  	_ =	shalt  }
0x63: {  	_ =	shalt  }
0x64: {  	_ =	shalt  }
0x65: {  	_ =	shalt  }
0x66: {  	_ =	shalt  }
0x67: {  	_ =	shalt  }
0x68: {  	_ =	shalt  }
0x69: {  	_ =	shalt  }
0x6a: {  	_ =	shalt  }
0x6b: {  	_ =	shalt  }
0x6c: {  	_ =	shalt  }
0x6d: {  	_ =	shalt  }
0x6e: {  	_ =	shalt  }
0x6f: {  	_ =	shalt  }
0x70: {  	_ =	shalt  }
0x71: {  	_ =	shalt  }
0x72: {  	_ =	shalt  }
0x73: {  	_ =	shalt  }
0x74: {  	_ =	shalt  }
0x75: {  	_ =	shalt  }
0x76: {  	_ =	shalt  }
0x77: {  	_ =	shalt  }
0x78: {  	_ =	shalt  }
0x79: {  	_ =	shalt  }
0x7a: {  	_ =	shalt  }
0x7b: {  	_ =	shalt  }
0x7c: {  	_ =	shalt  }
0x7d: {  	_ =	shalt  }
0x7e: {  	_ =	shalt  }
0x7f: {  	_ =	shalt  }
0x80: {  	_ =	shalt  }
0x81: {  	_ =	shalt  }
0x82: {  	_ =	shalt  }
0x83: {  	_ =	shalt  }
0x84: {  	_ =	shalt  }
0x85: {  	_ =	shalt  }
0x86: {  	_ =	shalt  }
0x87: {  	_ =	shalt  }
.Lfunc_end0:
.L_simem_size_0:
called_computation.2_lowered:
.L_overlay_start_0:
0x88: {  	s2 =	sld [smem:$0x3FD9]  }
0x89: {  	s3 =	sld [smem:$0x3FFE];
	_ =	sdelay $0x1  }
0x8a: {  	s1 =	srdreg.scid  }
0x8b: {  	s0 =	sand.u32 $0x1, s1  }
0x8c: {  	s17 =	sshll.u32 s0, $0xA;
	s2 =	sadd.s32 s3, s2  }
0x8d: {  	s2 =	sadd.s32 s2, s17  }
0x8e: {  	[smem:$0x3FB3] =	sst s2  }
0x8f: {  	_ = 	snop  }
0x90: {  	(tm) =	ssettm $0x1  }
0x91: {  	s18 =	sld [smem:$0x3FFB];
	_ =	sdelay $0x3  }
0x92: {  	_ =	strace s18  }
0x93: {  	s2 =	sld [smem:$0x3FFC];
	_ =	sdelay $0x3  }
0x94: {  	_ =	strace s2  }
0x95: {  	s2 =	sld [smem:$0x3FFD];
	_ =	sdelay $0x3  }
0x96: {  	_ =	strace s2  }
0x97: {  	_ =	strace $0x8FFFFFFF  }
0x98: {  	s19 =	sld [smem:$0x3FDB];
	_ =	sdelay $0x1  }
0x99: {  	s20 =	simm.s32 $_scs_section_size  }
0x9a: {  	s4 =	simm.s32 $_size__tile_overlayer_lowered;
	s5 =	simm.s32 $_tile_overlayer_lowered  }
0x9b: {  	s6 =	simm.s32 $0x1BFF;
	s21 =	sshll.u32 s5, $0x1;
	s3 =	sadd.s32 s20, s19  }
0x9c: {  	s22 =	simm.s32 $0x0;
	s4 =	sshll.u32 s4, $0x1;
	s5 =	sadd.s32 s21, s3  }
0x9d: {  	[timem:s22], [sflag:s6] =	dma.local [hbm:s5], s4  }
0x9e: {  	_ =	swait.ge [sflag:s6], s4  }
0x9f: {  	s4 =	ssub.s32 $0x0, s4;
	[sflag:s6] =	ssyncset.done $0x0  }
0xa0: {  	[sflag:s6] =	ssyncadd.s32 s4;
	_ =	sdelay $0x1  }
0xa1: {  	s23 =	simm.s32 $0x1B8B  }
0xa2: {  	_ =	swait.ge [sflag:s23], $0x1  }
0xa3: {  	[sflag:s23] =	ssyncset.done $0x0  }
0xa4: {  	[sflag:s23] =	ssyncadd.s32 $0xFFFFFFFF  }
0xa5: {  	s4 =	sld [smem:$0x0]  }
0xa6: {  	s5 =	sand.u32 $0xFFFFFFFE, s1  }
0xa7: {  	p0 =	sne.s32 s1, s5  }
0xa8: {  	s5 =	sshll.u32 @p0 s5, $0xE  }
0xa9: {  	s5 =	sadd.s32 @p0 $0x11B8D, s5;
	s6 =	sshll.u32 @p0 s4, $0x11  }
0xaa: {  	s5 =	sor.u32 @p0 s6, s5  }
0xab: {  	[sflag:s5] =	ssyncadd.remote.s32 @p0 $0x1;
	_ =	sdelay $0x1  }
0xac: {  	s5 =	simm.s32 @p0 $0x1B8D  }
0xad: {  	_ =	swait.eq @p0 [sflag:s5], $0x1  }
0xae: {  	[sflag:s5] =	ssyncadd.s32 @p0 $0xFFFFFFFF  }
0xaf: {  	s6 =	sshll.u32 @!p0 s1, $0xE  }
0xb0: {  	s6 =	sor.u32 @!p0 $0x4000, s6;
	s5 =	simm.s32 @!p0 $0x1B8D  }
0xb1: {  	s4 =	sshll.u32 @!p0 s4, $0x11;
	s6 =	sadd.s32 @!p0 $0x11B8D, s6;
	_ =	swait.eq @!p0 [sflag:s5], $0x1  }
0xb2: {  	s4 =	sor.u32 @!p0 s4, s6;
	[sflag:s5] =	ssyncadd.s32 @!p0 $0xFFFFFFFF  }
0xb3: {  	s25 =	simm.s32 $0x1B8E;
	s24 =	sld [smem:$0x3FFE];
	[sflag:s4] =	ssyncadd.remote.s32 @!p0 $0x1  }
0xb4: {  	s26 =	simm.s32 $execute0_lowered;
	[smem:$0x3FD2] =	sst s25  }
0xb5: {  	s5 =	sshll.u32 s26, $0x1;
	_ =	strace $0x8000004C;
	[dreg:$0x1] =	wrdreg $0xFFFFFFFF  }
0xb6: {  	s28 =	simm.s32 $_size_execute0_lowered;
	s3 =	sadd.s32 s3, s5;
	[dreg:$0x0] =	wrdreg $0x0  }
0xb7: {  	s5 =	sshll.u32 s28, $0x1;
	[dreg:$0x2] =	wrdreg s3  }
0xb8: {  	[dreg:$0x3] =	wrdreg s5  }
0xb9: {  	[dreg:$0x4] =	wrdreg $0xC0  }
0xba: {  	_ =	task [dreg:s22], $0x5FFFF  }
0xbb: {  	[dreg:$0x1] =	wrdreg $0xFFFFFFFF  }
0xbc: {  	[dreg:$0x0] =	wrdreg $0x60  }
0xbd: {  	[dreg:$0x2] =	wrdreg s24  }
0xbe: {  	[dreg:$0x3] =	wrdreg $0x28800  }
0xbf: {  	[dreg:$0x4] =	wrdreg $0xA  }
0xc0: {  	_ =	task.clear_ibuf [dreg:s22], $0x5FFFF;
	_ =	strace $0x9000004C  }
0xc1: {  	s29 =	simm.s32 $0xA;
	_ =	strace $0x8000004E  }
0xc2: {  	_ =	swait.ge [sflag:s29], $0x1  }
0xc3: {  	[sflag:s29] =	ssyncadd.s32 $0xFFFFFFFF  }
0xc4: {  	_ =	strace $0x9000004E  }
0xc5: {  	_ =	sfence  }
0xc6: {  	s30 =	sld [smem:$0x0];
	_ =	sdelay $0x2  }
0xc7: {  	s31 =	sshll.u32 s1, $0xD;
	s1 =	sshrl.u32 s1, $0x2  }
0xc8: {  	s4 =	sand.u32 $0x4000, s31;
	s1 =	sadd.s32 s1, s30  }
0xc9: {  	s0 =	sor.u32 s4, s0;
	s1 =	sshll.u32 s1, $0x11  }
0xca: {  	s0 =	sor.u32 s1, s0  }
0xcb: {  	s0 =	sadd.s32 $0x8F2B, s0  }
0xcc: {  	[sflag:s0] =	ssyncadd.remote.s32 $0x1  }
0xcd: {  	_ =	sfence.sel $0xFFFF  }
0xce: {  	[dreg:$0x0] =	wrdreg $0xFFFFFFFF;
	(pc) =	sbr.abs _section_cstart, $3  }
0xcf: {  	[dreg:$0x1] =	wrdreg $0xFFFFFFFF  }
0xd0: {  	_ =	task.clear_ibuf [dreg:s22], $0x2FFFF;
	_ =	strace $0x9FFFFFFF  }
0xd1: {  	(tm) =	ssettm $0x7FFFFFFF  }
tec
execute0_lowered:
.L_overlay_start_1:
0x0: {  	(tag) =	ssettag $0x1  }
0x1: {  	s0 =	srdreg.scid  }
0x2: {  	s5 =	rddreg [dreg:$0x0];
	s11 =	stileid.u32  }
0x3: {  	s1 =	rddreg [dreg:$0x1];
	s2 =	simm.s32 $0x0;
	s6 =	smul.u32 $0x2710, s11  }
0x4: {  	s3 =	sand.u32 $0x1, s0;
	s0 =	rddreg [dreg:$0x2];
	s24 =	smul.u32 $0x13800, s11  }
0x5: {  	s17 =	simm.s32 $0x0;
	[smem:$0x7FF] =	sst s2;
	s12 =	smul.u32 $0x4E000, s11  }
0x6: {  	s13 =	sadd.s32 $0x66400, s5;
	s28 =	sshll.u32 s11, $0x6;
	s29 =	smul.u32 $0x27100, s11  }
0x7: {  	s16 =	sadd.s32 $0x138000, s1;
	p0 =	sne.s32 s11, $0x0;
	s4 =	smul.u32 $0x27100, s3  }
0x8: {  	s7 =	smul.u32 $0x271000, s3;
	_ =	strace $0x8000004D;
	s25 =	ssub.s32 $0x2, s3  }
0x9: {  	s14 =	smul.u32 $0x138800, s3;
	s8 =	sshrl.u32 s24, $0x3;
	s9 =	sshrl.u32 s25, $0x1  }
0xa: {  	s26 =	sshrl.u32 s12, $0x2;
	s4 =	sadd.s32 s6, s4;
	s7 =	sadd.s32 s7, s5  }
0xb: {  	s8 =	sadd.s32 s8, s5;
	s9 =	ssub.s32 s25, s9;
	s15 =	sadd.s32 s26, s1  }
0xc: {  	s6 =	sadd.s32 s24, s14;
	s30 =	sshrl.u32 s14, $0x3;
	s14 =	simm.s32 $0x80  }
0xd: {  	s4 =	sshrl.u32 s4, $0x3;
	s3 =	sadd.s32 $0x548400, s8;
	s6 =	sshrl.u32 s6, $0x3  }
0xe: {  	s12 =	sadd.s32 s13, s30;
	s31 =	sadd.s32 s29, s7;
	s8 =	smax.u32 s9, $0x1  }
0xf: {  	s11 =	sshrl.u32 s15, $0x3;
	s15 =	simm.s32 $0x1;
	s10 =	sadd.s32 s4, s5  }
0x10: {  	s4 =	sor.u32 $0x1C02, s28;
	s5 =	sadd.s32 $0x56F400, s5;
	s6 =	sadd.s32 s13, s6  }
0x11: {  	s7 =	sadd.s32 $0x27000, s12;
	s9 =	sadd.s32 $0x5BD800, s31;
	s12 =	simm.s32 $0x2  }
0x12: {  	s13 =	sshrl.u32 @!p0 s16, $0x3;
	s16 =	simm.s32 $0x50;
	s10 =	sadd.s32 $0xDC00, s10  }
.LBB2_1:
0x13: {  	[spmem:s11], [sflag:s4] =	dma.local [hbm:s3], $0x2700  }
0x14: {  	_ =	swait.ge [sflag:s12], $0x2700  }
0x15: {  	[sflag:s12] =	ssyncset.done $0x0  }
0x16: {  	s18 =	simm.s32 @!p0 $0x2;
	[sflag:s12] =	ssyncadd.s32 $0xFFFFD900  }
0x17: {  	[spmem:s13], [sflag:s4] =	dma.local @!p0 [hbm:s5], $0x100  }
0x18: {  	_ =	swait.ge @!p0 [sflag:s18], $0x100  }
0x19: {  	[sflag:s18] =	ssyncset.done @!p0 $0x0  }
0x1a: {  	[sflag:s18] =	ssyncadd.s32 @!p0 $0xFFFFFF00  }
0x1b: {  	s31 =	sadd.s32 $0x0, s10;
	[bflag:$0x0] =	sbarrier.arrive $0xFFFF  }
0x1c: {  	[tilespmem:s2], [sflag:$0x2] =	stream.linear.gather [hbm4b:s31+s2], $0x50, $0x38;
	[tilespmem:$0x16100] =	vst v63  }
0x1d: {  	_ =	swait.ge [sflag:s12], $0x50  }
0x1e: {  	[sflag:s12] =	ssyncset.done $0x0  }
0x1f: {  	[sflag:s12] =	ssyncadd.s32 $0xFFFFFFB0  }
0x20: {  	[tilespmem:s14], [sflag:$0x1] =	stream.linear.gather [hbm4b:s9+s2], $0x2800, $0x38;
	[tilespmem:$0x16100] =	vst v63  }
0x21: {  	_ =	swait.ge [sflag:s15], $0x2800  }
0x22: {  	[sflag:s15] =	ssyncset.done $0x0  }
0x23: {  	[sflag:s15] =	ssyncadd.s32 $0xFFFFD800  }
0x24: {  	[spmem:s1] =	stream.indirect.scatter.add.f32 [tilespmem:s14], [sflag:$0x2], $0x80, s2, s16, $0xb8;
	[tilespmem:$0x16100] =	vst v63  }
0x25: {  	s19 =	simm.s32 $0xA;
	_ =	swait.ge [sflag:s12], $0x2800  }
0x26: {  	s20 =	simm.s32 $0x14;
	s18 =	sadd.s32 $0x500, s9;
	[sflag:s12] =	ssyncset.done $0x0  }
.LBB2_2:
0x27: {  	s21 =	sadd.s32 s19, s10  }
0x28: {  	[sflag:s12] =	ssyncadd.s32 $0xFFFFD800;
	s19 =	smov.u32 s20;
	s22 =	sadd.s32 $0xA, s20  }
0x29: {  	[tilespmem:s2], [sflag:$0x2] =	stream.linear.gather [hbm4b:s21+s2], $0x50, $0x38;
	[tilespmem:$0x16100] =	vst v63  }
0x2a: {  	p1 =	sne.s32 s20, $0x4D8;
	_ =	swait.ge [sflag:s12], $0x50  }
0x2b: {  	[sflag:s12] =	ssyncset.done $0x0  }
0x2c: {  	[sflag:s12] =	ssyncadd.s32 $0xFFFFFFB0  }
0x2d: {  	[tilespmem:s14], [sflag:$0x1] =	stream.linear.gather [hbm4b:s18+s2], $0x2800, $0x38;
	[tilespmem:$0x16100] =	vst v63  }
0x2e: {  	_ =	swait.ge [sflag:s15], $0x2800  }
.Ltmp0:
0x2f: {  	[sflag:s15] =	ssyncset.done $0x0;
	(pc) =	sbr.rel @p1 .LBB2_2-.Ltmp0, $4  }
0x30: {  	[sflag:s15] =	ssyncadd.s32 $0xFFFFD800  }
0x31: {  	[spmem:s1] =	stream.indirect.scatter.add.f32 [tilespmem:s14], [sflag:$0x2], $0x80, s2, s16, $0xb8;
	[tilespmem:$0x16100] =	vst v63  }
0x32: {  	_ =	swait.ge [sflag:s12], $0x2800  }
0x33: {  	s20 =	smov.u32 s22;
	s18 =	sadd.s32 $0x500, s18;
	[sflag:s12] =	ssyncset.done $0x0  }
0x34: {  	s19 =	sadd.s32 s19, s10;
	[sflag:s12] =	ssyncadd.s32 $0xFFFFD800  }
0x35: {  	[tilespmem:s2], [sflag:$0x2] =	stream.linear.gather [hbm4b:s19+s2], $0x50, $0x38;
	[tilespmem:$0x16100] =	vst v63  }
0x36: {  	_ =	swait.ge [sflag:s12], $0x50  }
0x37: {  	[sflag:s12] =	ssyncset.done $0x0  }
0x38: {  	[sflag:s12] =	ssyncadd.s32 $0xFFFFFFB0  }
0x39: {  	[tilespmem:s14], [sflag:$0x1] =	stream.linear.gather [hbm4b:s18+s2], $0x2800, $0x38;
	[tilespmem:$0x16100] =	vst v63  }
0x3a: {  	_ =	swait.ge [sflag:s15], $0x2800  }
0x3b: {  	[sflag:s15] =	ssyncset.done $0x0  }
0x3c: {  	[sflag:s15] =	ssyncadd.s32 $0xFFFFD800  }
0x3d: {  	[spmem:s1] =	stream.indirect.scatter.add.f32 [tilespmem:s14], [sflag:$0x2], $0x80, s2, s16, $0xb8;
	[tilespmem:$0x16100] =	vst v63  }
0x3e: {  	_ =	swait.ge [sflag:s12], $0x2800  }
0x3f: {  	[sflag:s12] =	ssyncset.done $0x0  }
0x40: {  	[sflag:s12] =	ssyncadd.s32 $0xFFFFD800  }
0x41: {  	[bflag:$0x0] =	sbarrier.arrive $0xFFFF  }
0x42: {  	[hbm:s6], [sflag:s4] =	dma.local [spmem:s11], $0x2700  }
0x43: {  	s17 =	sadd.s32 $0x1, s17;
	_ =	swait.ge [sflag:s12], $0x2700  }
0x44: {  	p1 =	sne.s32 s17, s8;
	[sflag:s12] =	ssyncset.done $0x0  }
.Ltmp1:
0x45: {  	s18 =	simm.s32 @!p0 $0x2;
	[sflag:s12] =	ssyncadd.s32 $0xFFFFD900;
	(pc) =	sbr.rel @p1 .LBB2_1-.Ltmp1, $4  }
0x46: {  	[hbm:s7], [sflag:s4] =	dma.local @!p0 [spmem:s13], $0x100  }
0x47: {  	_ =	swait.ge @!p0 [sflag:s18], $0x100  }
0x48: {  	[sflag:s18] =	ssyncset.done @!p0 $0x0  }
0x49: {  	[sflag:s18] =	ssyncadd.s32 @!p0 $0xFFFFFF00  }
0x4a: {  	_ =	sfence.sel $0x180000  }
0x4b: {  	[bflag:$0x0] =	sbarrier.arrive $0xFFFF  }
0x4c: {  	_ =	strace $0x9000004D  }
0x4d: {  	s0 =	sadd.s32 @!p0 $0x100000, s0;
	[bflag:$0x2] =	sbarrier.arrive $0xFFFF  }
0x4e: {  	[sflag:s0] =	ssyncadd.tile.s32 @!p0 $0x1;
	_ =	shalt  }
.Lfunc_end2:
_tile_overlayer_lowered:
.L_overlay_start_2:
0x4f: {  	(tag) =	ssettag $0x2  }
0x50: {  	s0 =	rddreg [dreg:$0x0];
	s2 =	stileid.u32  }
0x51: {  	s1 =	rddreg [dreg:$0x1];
	p0 =	sne.s32 s2, $0x0  }
0x52: {  	s3 =	rddreg [dreg:$0x2];
	[bflag:$0x3] =	sbarrier.arrive $0xFFFF;
	s2 =	simm.s32 @!p0 $0x1C02  }
0x53: {  	[timem:s3], [sflag:s2] =	dma.local @!p0 [hbm:s0], s1  }
0x54: {  	s0 =	simm.s32 @!p0 $0x2  }
0x55: {  	_ =	swait.ge @!p0 [sflag:s0], s1  }
0x56: {  	s1 =	ssub.s32 @!p0 $0x0, s1;
	[sflag:s0] =	ssyncset.done @!p0 $0x0  }
0x57: {  	[sflag:s0] =	ssyncadd.s32 @!p0 s1  }
0x58: {  	[bflag:$0x3] =	sbarrier.arrive $0xFFFF  }
0x59: {  	_ =	shalt  }

// kernel: kernel.19.cloned.1.call-start
scs
__scs_entry_jumppad:
0x0: {  	(pc) =	sbr.rel $0x88, $3  }
0x1: {  	(tag) =	ssettag $0x0;
	lr =	simm.s32 $0x1  }
0x2: {  	[smem:$0x3F8C] =	sst lr;
	_ =	strace $0xD0000000  }
0x3: {  	_ = 	snop  }
0x4: {  	_ = 	snop  }
0x5: {  	_ = 	snop  }
0x6: {  	_ = 	snop  }
0x7: {  	_ = 	snop  }
__scs_overlays_trampoline_lowered:
0x8: {  	[smem:$0x3F9B] =	sst s0  }
0x9: {  	[smem:$0x3F9C] =	sst s1  }
0xa: {  	[smem:$0x3F9D] =	sst s2  }
0xb: {  	[smem:$0x3F9E] =	sst s3  }
0xc: {  	[smem:$0x3F9F] =	sst s4  }
0xd: {  	[smem:$0x3FA0] =	sst s5  }
0xe: {  	[smem:$0x3FA1] =	sst s6  }
0xf: {  	[smem:$0x3FA2] =	sst s7  }
0x10: {  	[smem:$0x3FA3] =	sst s8  }
0x11: {  	[smem:$0x3FA4] =	sst s9;
	s0 =	simm.s32 @!p0 $0x0  }
0x12: {  	s1 =	sld [smem:$0x3F8A];
	s0 =	simm.s32 @p0 $0x1  }
0x13: {  	[smem:$0x3FA5] =	sst s0;
	s0 =	simm.s32 @!p1 $0x0  }
0x14: {  	s2 =	sld [smem:$0x3F89];
	s0 =	simm.s32 @p1 $0x1  }
0x15: {  	[smem:$0x3FA6] =	sst s0;
	s0 =	simm.s32 @!p2 $0x0  }
0x16: {  	s3 =	sld [smem:$0x3FDB];
	s0 =	simm.s32 @p2 $0x1  }
0x17: {  	s4 =	simm.s32 $0x1BF5;
	[smem:$0x3FA8] =	sst s0  }
0x18: {  	s0 =	sld [smem:$0x3F8B];
	_ =	swait.ge [sflag:s4], $0x0  }
0x19: {  	s7 =	sld [smem:$0x3F8C]  }
0x1a: {  	s8 =	sadd.s32 $0xFFFFE003, lr  }
0x1b: {  	s9 =	sadd.s32 $0xFFFFFEF7, lr;
	s5 =	simm.s32 $0xFFFFFFFF;
	p2 =	slt.u32 s8, $0xFFFFF086  }
0x1c: {  	p1 =	slt.u32 s9, $0xF7A;
	s5 =	simm.s32 @!p2 $0x0  }
0x1d: {  	s5 =	simm.s32 @p1 $0x1;
	p0 =	seq.s32 s7, s2  }
0x1e: {  	s7 =	smul.u32 @!p0 $0xF7A, s2;
	p2 =	seq.s32 @!p0 s5, $0x0  }
0x1f: {  	s9 =	smul.u32 $0xF7A, s1;
	s8 =	simm.s32 @!p0 $0x1BF5;
	p2 =	por !p2, p0  }
0x20: {  	[sflag:s8] =	ssyncset.s32 @!p0 $0xFFFFF086;
	s6 =	sadd.s32 @!p0 s3, s7;
	s7 =	simm.s32 @!p0 $0x108  }
0x21: {  	s3 =	sadd.s32 s3, s9;
	s6 =	sadd.s32 @!p0 $0x88, s6;
	s7 =	simm.s32 @p2 $0x1082  }
0x22: {  	[simem:s7], [sflag:s8] =	dma.local @!p0 [hbm:s6], $0xF7A  }
0x23: {  	s9 =	sor.u32 $0xD0000000, s2;
	s6 =	simm.s32 $0x108;
	_ =	swait.ge @!p0 [sflag:s8], $0x0  }
0x24: {  	s3 =	sadd.s32 $0x88, s3;
	s6 =	simm.s32 @!p1 $0x1082;
	[sflag:s4] =	ssyncset.s32 $0xFFFFF086  }
0x25: {  	[simem:s6], [sflag:s4] =	dma.local [hbm:s3], $0xF7A  }
0x26: {  	[smem:$0x3F8C] =	sst s1;
	(tag) =	ssettag s2;
	_ =	strace s9  }
0x27: {  	s1 =	sld [smem:$0x3F9C]  }
0x28: {  	s2 =	sld [smem:$0x3F9D]  }
0x29: {  	s4 =	sld [smem:$0x3F9F]  }
0x2a: {  	p0 =	seq.s32 s5, $0x0;
	s5 =	sld [smem:$0x3FA0]  }
0x2b: {  	s6 =	sld [smem:$0x3FA1]  }
0x2c: {  	s7 =	sld [smem:$0x3FA2]  }
0x2d: {  	s3 =	simm.s32 $0x108;
	s8 =	sld [smem:$0x3FA3]  }
0x2e: {  	s3 =	simm.s32 @!p0 $0x1082;
	s9 =	sld [smem:$0x3FA4]  }
0x2f: {  	lr =	sadd.s32 s0, s3;
	s0 =	sld [smem:$0x3F9B]  }
0x30: {  	s3 =	sld [smem:$0x3F9E]  }
0x31: {  	[smem:$0x3FA7] =	sst s10  }
0x32: {  	s10 =	sld [smem:$0x3FA5];
	_ =	sdelay $0x3  }
0x33: {  	p0 =	seq.s32 s10, $0x1;
	s10 =	sld [smem:$0x3FA7];
	_ =	sdelay $0x3  }
0x34: {  	[smem:$0x3FA7] =	sst s10  }
0x35: {  	s10 =	sld [smem:$0x3FA6];
	_ =	sdelay $0x3  }
0x36: {  	p1 =	seq.s32 s10, $0x1;
	s10 =	sld [smem:$0x3FA7];
	_ =	sdelay $0x3  }
0x37: {  	[smem:$0x3FA7] =	sst s10  }
0x38: {  	s10 =	sld [smem:$0x3FA8]  }
0x39: {  	_ = 	snop;
	(pc) =	sbr.ind lr, $3  }
0x3a: {  	_ = 	snop  }
0x3b: {  	_ = 	snop  }
0x3c: {  	p2 =	seq.s32 s10, $0x1;
	s10 =	sld [smem:$0x3FA7]  }
0x3d: {  	_ =	shalt  }
0x3e: {  	_ =	shalt  }
0x3f: {  	_ =	shalt  }
0x40: {  	_ =	shalt  }
0x41: {  	_ =	shalt  }
0x42: {  	_ =	shalt  }
0x43: {  	_ =	shalt  }
0x44: {  	_ =	shalt  }
0x45: {  	_ =	shalt  }
0x46: {  	_ =	shalt  }
0x47: {  	_ =	shalt  }
0x48: {  	_ =	shalt  }
0x49: {  	_ =	shalt  }
0x4a: {  	_ =	shalt  }
0x4b: {  	_ =	shalt  }
0x4c: {  	_ =	shalt  }
0x4d: {  	_ =	shalt  }
0x4e: {  	_ =	shalt  }
0x4f: {  	_ =	shalt  }
0x50: {  	_ =	shalt  }
0x51: {  	_ =	shalt  }
0x52: {  	_ =	shalt  }
0x53: {  	_ =	shalt  }
0x54: {  	_ =	shalt  }
0x55: {  	_ =	shalt  }
0x56: {  	_ =	shalt  }
0x57: {  	_ =	shalt  }
0x58: {  	_ =	shalt  }
0x59: {  	_ =	shalt  }
0x5a: {  	_ =	shalt  }
0x5b: {  	_ =	shalt  }
0x5c: {  	_ =	shalt  }
0x5d: {  	_ =	shalt  }
0x5e: {  	_ =	shalt  }
0x5f: {  	_ =	shalt  }
0x60: {  	_ =	shalt  }
0x61: {  	_ =	shalt  }
0x62: {  	_ =	shalt  }
0x63: {  	_ =	shalt  }
0x64: {  	_ =	shalt  }
0x65: {  	_ =	shalt  }
0x66: {  	_ =	shalt  }
0x67: {  	_ =	shalt  }
0x68: {  	_ =	shalt  }
0x69: {  	_ =	shalt  }
0x6a: {  	_ =	shalt  }
0x6b: {  	_ =	shalt  }
0x6c: {  	_ =	shalt  }
0x6d: {  	_ =	shalt  }
0x6e: {  	_ =	shalt  }
0x6f: {  	_ =	shalt  }
0x70: {  	_ =	shalt  }
0x71: {  	_ =	shalt  }
0x72: {  	_ =	shalt  }
0x73: {  	_ =	shalt  }
0x74: {  	_ =	shalt  }
0x75: {  	_ =	shalt  }
0x76: {  	_ =	shalt  }
0x77: {  	_ =	shalt  }
0x78: {  	_ =	shalt  }
0x79: {  	_ =	shalt  }
0x7a: {  	_ =	shalt  }
0x7b: {  	_ =	shalt  }
0x7c: {  	_ =	shalt  }
0x7d: {  	_ =	shalt  }
0x7e: {  	_ =	shalt  }
0x7f: {  	_ =	shalt  }
0x80: {  	_ =	shalt  }
0x81: {  	_ =	shalt  }
0x82: {  	_ =	shalt  }
0x83: {  	_ =	shalt  }
0x84: {  	_ =	shalt  }
0x85: {  	_ =	shalt  }
0x86: {  	_ =	shalt  }
0x87: {  	_ =	shalt  }
.Lfunc_end0:
.L_simem_size_0:
called_computation.3_lowered:
.L_overlay_start_0:
0x88: {  	s2 =	sld [smem:$0x3FD9]  }
0x89: {  	s3 =	sld [smem:$0x3FFE];
	_ =	sdelay $0x1  }
0x8a: {  	s1 =	srdreg.scid  }
0x8b: {  	s0 =	sand.u32 $0x1, s1  }
0x8c: {  	s16 =	sshll.u32 s0, $0xA;
	s2 =	sadd.s32 s3, s2  }
0x8d: {  	s2 =	sadd.s32 s2, s16  }
0x8e: {  	[smem:$0x3FB3] =	sst s2  }
0x8f: {  	_ = 	snop  }
0x90: {  	(tm) =	ssettm $0x1  }
0x91: {  	s17 =	sld [smem:$0x3FFB];
	_ =	sdelay $0x3  }
0x92: {  	_ =	strace s17  }
0x93: {  	s2 =	sld [smem:$0x3FFC];
	_ =	sdelay $0x3  }
0x94: {  	_ =	strace s2  }
0x95: {  	s2 =	sld [smem:$0x3FFD];
	_ =	sdelay $0x3  }
0x96: {  	_ =	strace s2  }
0x97: {  	_ =	strace $0x8FFFFFFF  }
0x98: {  	s18 =	sld [smem:$0x3FDB];
	_ =	sdelay $0x1  }
0x99: {  	s19 =	simm.s32 $_scs_section_size  }
0x9a: {  	s4 =	simm.s32 $_size__tile_overlayer_lowered;
	s5 =	simm.s32 $_tile_overlayer_lowered  }
0x9b: {  	s22 =	simm.s32 $0x1BFF;
	s21 =	sshll.u32 s5, $0x1;
	s2 =	sadd.s32 s19, s18  }
0x9c: {  	s6 =	simm.s32 $0x0;
	s20 =	sshll.u32 s4, $0x1;
	s4 =	sadd.s32 s21, s2  }
0x9d: {  	[timem:s6], [sflag:s22] =	dma.local [hbm:s4], s20  }
0x9e: {  	_ =	swait.ge [sflag:s22], s20  }
0x9f: {  	s3 =	ssub.s32 $0x0, s20;
	[sflag:s22] =	ssyncset.done $0x0  }
0xa0: {  	[sflag:s22] =	ssyncadd.s32 s3;
	_ =	sdelay $0x1  }
0xa1: {  	s23 =	simm.s32 $0x1B8B  }
0xa2: {  	_ =	swait.ge [sflag:s23], $0x1  }
0xa3: {  	[sflag:s23] =	ssyncset.done $0x0  }
0xa4: {  	s25 =	simm.s32 $0x1B8E;
	s24 =	sld [smem:$0x3FFE];
	[sflag:s23] =	ssyncadd.s32 $0xFFFFFFFF  }
0xa5: {  	s26 =	simm.s32 $execute0_lowered;
	[smem:$0x3FD2] =	sst s25  }
0xa6: {  	s4 =	sshll.u32 s26, $0x1;
	_ =	strace $0x8000004F;
	[dreg:$0x1] =	wrdreg $0xFFFFFFFF  }
0xa7: {  	s28 =	simm.s32 $_size_execute0_lowered;
	s2 =	sadd.s32 s2, s4;
	[dreg:$0x0] =	wrdreg $0x0  }
0xa8: {  	s4 =	sshll.u32 s28, $0x1;
	[dreg:$0x2] =	wrdreg s2  }
0xa9: {  	[dreg:$0x3] =	wrdreg s4  }
0xaa: {  	[dreg:$0x4] =	wrdreg $0xC0  }
0xab: {  	_ =	task [dreg:s6], $0x5FFFF  }
0xac: {  	[dreg:$0x1] =	wrdreg $0xFFFFFFFF  }
0xad: {  	[dreg:$0x0] =	wrdreg $0x60  }
0xae: {  	[dreg:$0x2] =	wrdreg s24  }
0xaf: {  	[dreg:$0x3] =	wrdreg $0x29000  }
0xb0: {  	[dreg:$0x4] =	wrdreg $0x9  }
0xb1: {  	_ =	task.clear_ibuf [dreg:s6], $0x5FFFF;
	_ =	strace $0x9000004F  }
0xb2: {  	s29 =	simm.s32 $0x9;
	_ =	strace $0x80000051  }
0xb3: {  	_ =	swait.ge [sflag:s29], $0x1  }
0xb4: {  	[sflag:s29] =	ssyncadd.s32 $0xFFFFFFFF  }
0xb5: {  	_ =	strace $0x90000051  }
0xb6: {  	_ =	sfence  }
0xb7: {  	s30 =	sld [smem:$0x0];
	_ =	sdelay $0x2  }
0xb8: {  	s31 =	sshll.u32 s1, $0xD;
	s1 =	sshrl.u32 s1, $0x2  }
0xb9: {  	s3 =	sand.u32 $0x4000, s31;
	s1 =	sadd.s32 s1, s30  }
0xba: {  	s0 =	sor.u32 s3, s0;
	s1 =	sshll.u32 s1, $0x11  }
0xbb: {  	s0 =	sor.u32 s1, s0  }
0xbc: {  	s0 =	sadd.s32 $0x8F2B, s0  }
0xbd: {  	[sflag:s0] =	ssyncadd.remote.s32 $0x1  }
0xbe: {  	_ =	sfence.sel $0xFFFF  }
0xbf: {  	[dreg:$0x0] =	wrdreg $0xFFFFFFFF;
	(pc) =	sbr.abs _section_cstart, $3  }
0xc0: {  	[dreg:$0x1] =	wrdreg $0xFFFFFFFF  }
0xc1: {  	_ =	task.clear_ibuf [dreg:s6], $0x2FFFF;
	_ =	strace $0x9FFFFFFF  }
0xc2: {  	(tm) =	ssettm $0x7FFFFFFF  }
0xc3: {  	_ =	shalt  }
tec
execute0_lowered:
.L_overlay_start_1:
0x0: {  	(tag) =	ssettag $0x1  }
0x1: {  	s0 =	srdreg.scid;
	s6 =	rddreg [dreg:$0x0]  }
0x2: {  	s12 =	stileid.u32;
	s1 =	rddreg [dreg:$0x1]  }
0x3: {  	s2 =	simm.s32 $0x0;
	s16 =	simm.s32 $0x50;
	s17 =	simm.s32 $0x100  }
0x4: {  	s18 =	simm.s32 $0x1;
	s19 =	simm.s32 $0x0;
	s5 =	smul.u32 $0x2710, s12  }
0x5: {  	s4 =	sand.u32 $0x1, s0;
	s0 =	rddreg [dreg:$0x2];
	s7 =	smul.u32 $0x13800, s12  }
0x6: {  	[smem:$0x7FF] =	sst s2;
	s9 =	smul.u32 $0x4E000, s12;
	s10 =	sadd.s32 $0x3F200, s6  }
0x7: {  	s30 =	sshll.u32 s12, $0x6;
	s15 =	sadd.s32 $0x138000, s1;
	p0 =	sne.s32 s12, $0x0  }
0x8: {  	s3 =	smul.u32 $0x27100, s4;
	_ =	strace $0x80000050;
	s8 =	ssub.s32 $0x2, s4  }
0x9: {  	s29 =	smul.u32 $0x138800, s4;
	s26 =	sshrl.u32 s7, $0x3;
	s13 =	sshrl.u32 s8, $0x1  }
0xa: {  	s28 =	sshrl.u32 s9, $0x2;
	s3 =	sadd.s32 s5, s3;
	s13 =	ssub.s32 s8, s13  }
0xb: {  	s14 =	sadd.s32 s28, s1;
	s7 =	sadd.s32 s7, s29;
	s31 =	sshrl.u32 s29, $0x3  }
0xc: {  	s5 =	sshrl.u32 s3, $0x3;
	s3 =	sadd.s32 $0x18000, s6;
	s7 =	sshrl.u32 s7, $0x3  }
0xd: {  	s8 =	sadd.s32 s10, s31;
	s9 =	smax.u32 s13, $0x1;
	s12 =	sshrl.u32 s14, $0x3  }
0xe: {  	s13 =	simm.s32 $0x2;
	s14 =	sshrl.u32 @!p0 s15, $0x3;
	s15 =	simm.s32 $0x80  }
0xf: {  	s11 =	sadd.s32 s5, s6;
	s5 =	sadd.s32 s26, s6;
	s6 =	sadd.s32 $0x56F400, s6  }
0x10: {  	s7 =	sadd.s32 s10, s7;
	s8 =	sadd.s32 $0x27000, s8;
	s4 =	sadd.s32 $0x548400, s5  }
0x11: {  	s5 =	sor.u32 $0x1C02, s30;
	s10 =	sadd.s32 $0xDC00, s11;
	s11 =	sadd.s32 $0x3E00, s11  }
.LBB2_1:
0x12: {  	[spmem:s12], [sflag:s5] =	dma.local [hbm:s4], $0x2700  }
0x13: {  	_ =	swait.ge [sflag:s13], $0x2700  }
0x14: {  	[sflag:s13] =	ssyncset.done $0x0  }
0x15: {  	s20 =	simm.s32 @!p0 $0x2;
	[sflag:s13] =	ssyncadd.s32 $0xFFFFD900  }
0x16: {  	[spmem:s14], [sflag:s5] =	dma.local @!p0 [hbm:s6], $0x100  }
0x17: {  	_ =	swait.ge @!p0 [sflag:s20], $0x100  }
0x18: {  	[sflag:s20] =	ssyncset.done @!p0 $0x0  }
0x19: {  	[sflag:s20] =	ssyncadd.s32 @!p0 $0xFFFFFF00  }
0x1a: {  	s30 =	sadd.s32 $0x0, s11;
	[bflag:$0x0] =	sbarrier.arrive $0xFFFF  }
0x1b: {  	[tilespmem:s2], [sflag:$0x2] =	stream.linear.gather [hbm4b:s30+s2], $0x50, $0x38;
	[tilespmem:$0x16180] =	vst v63  }
0x1c: {  	_ =	swait.ge [sflag:s13], $0x50  }
0x1d: {  	[sflag:s13] =	ssyncset.done $0x0  }
0x1e: {  	s31 =	sadd.s32 $0x0, s10;
	[sflag:s13] =	ssyncadd.s32 $0xFFFFFFB0  }
0x1f: {  	[tilespmem:s15], [sflag:$0x2] =	stream.linear.gather [hbm4b:s31+s2], $0x50, $0x38;
	[tilespmem:$0x16180] =	vst v63  }
0x20: {  	_ =	swait.ge [sflag:s13], $0x50  }
0x21: {  	[sflag:s13] =	ssyncset.done $0x0  }
0x22: {  	[sflag:s13] =	ssyncadd.s32 $0xFFFFFFB0  }
0x23: {  	[tilespmem:s17], [sflag:$0x1] =	stream.indirect.gather [hbm4b:s3+s16], $0x80, s2, s16, $0xb8;
	[tilespmem:$0x16180] =	vst v63  }
0x24: {  	_ =	swait.ge [sflag:s18], $0x2800  }
0x25: {  	[sflag:s18] =	ssyncset.done $0x0  }
0x26: {  	[sflag:s18] =	ssyncadd.s32 $0xFFFFD800  }
0x27: {  	[spmem:s1] =	stream.indirect.scatter.add.f32 [tilespmem:s17], [sflag:$0x2], $0x80, s15, s16, $0xb8;
	[tilespmem:$0x16180] =	vst v63  }
0x28: {  	_ =	swait.ge [sflag:s13], $0x2800  }
0x29: {  	s21 =	simm.s32 $0x14;
	s20 =	simm.s32 $0xA;
	[sflag:s13] =	ssyncset.done $0x0  }
.LBB2_2:
0x2a: {  	s22 =	sadd.s32 s20, s11  }
0x2b: {  	[sflag:s13] =	ssyncadd.s32 $0xFFFFD800;
	s23 =	smov.u32 s21;
	s24 =	sadd.s32 $0xA, s21  }
0x2c: {  	[tilespmem:s2], [sflag:$0x2] =	stream.linear.gather [hbm4b:s22+s2], $0x50, $0x38;
	[tilespmem:$0x16180] =	vst v63  }
0x2d: {  	p1 =	sne.s32 s21, $0x4D8;
	_ =	swait.ge [sflag:s13], $0x50  }
0x2e: {  	[sflag:s13] =	ssyncset.done $0x0  }
0x2f: {  	s21 =	sadd.s32 s20, s10;
	s20 =	smov.u32 s23;
	[sflag:s13] =	ssyncadd.s32 $0xFFFFFFB0  }
0x30: {  	[tilespmem:s15], [sflag:$0x2] =	stream.linear.gather [hbm4b:s21+s2], $0x50, $0x38;
	[tilespmem:$0x16180] =	vst v63  }
0x31: {  	_ =	swait.ge [sflag:s13], $0x50  }
0x32: {  	[sflag:s13] =	ssyncset.done $0x0  }
0x33: {  	[sflag:s13] =	ssyncadd.s32 $0xFFFFFFB0  }
0x34: {  	[tilespmem:s17], [sflag:$0x1] =	stream.indirect.gather [hbm4b:s3+s16], $0x80, s2, s16, $0xb8;
	[tilespmem:$0x16180] =	vst v63  }
0x35: {  	_ =	swait.ge [sflag:s18], $0x2800  }
.Ltmp0:
0x36: {  	[sflag:s18] =	ssyncset.done $0x0;
	(pc) =	sbr.rel @p1 .LBB2_2-.Ltmp0, $4  }
0x37: {  	[sflag:s18] =	ssyncadd.s32 $0xFFFFD800  }
0x38: {  	[spmem:s1] =	stream.indirect.scatter.add.f32 [tilespmem:s17], [sflag:$0x2], $0x80, s15, s16, $0xb8;
	[tilespmem:$0x16180] =	vst v63  }
0x39: {  	_ =	swait.ge [sflag:s13], $0x2800  }
0x3a: {  	s21 =	smov.u32 s24;
	[sflag:s13] =	ssyncset.done $0x0  }
0x3b: {  	s21 =	sadd.s32 s20, s11;
	[sflag:s13] =	ssyncadd.s32 $0xFFFFD800  }
0x3c: {  	[tilespmem:s2], [sflag:$0x2] =	stream.linear.gather [hbm4b:s21+s2], $0x50, $0x38;
	[tilespmem:$0x16180] =	vst v63  }
0x3d: {  	_ =	swait.ge [sflag:s13], $0x50  }
0x3e: {  	[sflag:s13] =	ssyncset.done $0x0  }
0x3f: {  	s31 =	sadd.s32 s20, s10;
	[sflag:s13] =	ssyncadd.s32 $0xFFFFFFB0  }
0x40: {  	[tilespmem:s15], [sflag:$0x2] =	stream.linear.gather [hbm4b:s31+s2], $0x50, $0x38;
	[tilespmem:$0x16180] =	vst v63  }
0x41: {  	_ =	swait.ge [sflag:s13], $0x50  }
0x42: {  	[sflag:s13] =	ssyncset.done $0x0  }
0x43: {  	[sflag:s13] =	ssyncadd.s32 $0xFFFFFFB0  }
0x44: {  	[tilespmem:s17], [sflag:$0x1] =	stream.indirect.gather [hbm4b:s3+s16], $0x80, s2, s16, $0xb8;
	[tilespmem:$0x16180] =	vst v63  }
0x45: {  	_ =	swait.ge [sflag:s18], $0x2800  }
0x46: {  	[sflag:s18] =	ssyncset.done $0x0  }
0x47: {  	[sflag:s18] =	ssyncadd.s32 $0xFFFFD800  }
0x48: {  	[spmem:s1] =	stream.indirect.scatter.add.f32 [tilespmem:s17], [sflag:$0x2], $0x80, s15, s16, $0xb8;
	[tilespmem:$0x16180] =	vst v63  }
0x49: {  	_ =	swait.ge [sflag:s13], $0x2800  }
0x4a: {  	[sflag:s13] =	ssyncset.done $0x0  }
0x4b: {  	[sflag:s13] =	ssyncadd.s32 $0xFFFFD800  }
0x4c: {  	[bflag:$0x0] =	sbarrier.arrive $0xFFFF  }
0x4d: {  	[hbm:s7], [sflag:s5] =	dma.local [spmem:s12], $0x2700  }
0x4e: {  	s19 =	sadd.s32 $0x1, s19;
	_ =	swait.ge [sflag:s13], $0x2700  }
0x4f: {  	p1 =	sne.s32 s19, s9;
	[sflag:s13] =	ssyncset.done $0x0  }
.Ltmp1:
0x50: {  	s20 =	simm.s32 @!p0 $0x2;
	[sflag:s13] =	ssyncadd.s32 $0xFFFFD900;
	(pc) =	sbr.rel @p1 .LBB2_1-.Ltmp1, $4  }
0x51: {  	[hbm:s8], [sflag:s5] =	dma.local @!p0 [spmem:s14], $0x100  }
0x52: {  	_ =	swait.ge @!p0 [sflag:s20], $0x100  }
0x53: {  	[sflag:s20] =	ssyncset.done @!p0 $0x0  }
0x54: {  	[sflag:s20] =	ssyncadd.s32 @!p0 $0xFFFFFF00  }
0x55: {  	_ =	sfence.sel $0x180000  }
0x56: {  	[bflag:$0x0] =	sbarrier.arrive $0xFFFF  }
0x57: {  	_ =	strace $0x90000050  }
0x58: {  	s0 =	sadd.s32 @!p0 $0x100000, s0;
	[bflag:$0x2] =	sbarrier.arrive $0xFFFF  }
0x59: {  	[sflag:s0] =	ssyncadd.tile.s32 @!p0 $0x1;
	_ =	shalt  }
.Lfunc_end2:
_tile_overlayer_lowered:
.L_overlay_start_2:
0x5a: {  	(tag) =	ssettag $0x2  }
0x5b: {  	s0 =	rddreg [dreg:$0x0];
	s2 =	stileid.u32  }
0x5c: {  	s1 =	rddreg [dreg:$0x1];
	p0 =	sne.s32 s2, $0x0  }
0x5d: {  	s3 =	rddreg [dreg:$0x2];
	[bflag:$0x3] =	sbarrier.arrive $0xFFFF;
	s2 =	simm.s32 @!p0 $0x1C02  }
0x5e: {  	[timem:s3], [sflag:s2] =	dma.local @!p0 [hbm:s0], s1  }
0x5f: {  	s0 =	simm.s32 @!p0 $0x2  }
0x60: {  	_ =	swait.ge @!p0 [sflag:s0], s1  }
0x61: {  	s1 =	ssub.s32 @!p0 $0x0, s1;
	[sflag:s0] =	ssyncset.done @!p0 $0x0  }
0x62: {  	[sflag:s0] =	ssyncadd.s32 @!p0 s1  }
0x63: {  	[bflag:$0x3] =	sbarrier.arrive $0xFFFF  }
0x64: {  	_ =	shalt  }

</sc_bundles>
